<compile_context>
chip_gen: v7x
topology: tpu7x:2x2x1
jax: 0.10.2.dev20260603
libtpu: 0.0.44.dev20260713+nightly
codegen_flags: <defaults>
</compile_context>

<pallas_src>
import functools

import jax
import jax.numpy as jnp
from jax import lax
from jax.experimental import pallas as pl
from jax.experimental.pallas import tpu as pltpu
from jax.experimental.pallas import tpu_sc as plsc

B = 16384
F = 64
H = 100
NC = 2
NS = 16
NW = NC * NS
ROWS_W = B // NW
CHUNK = 128
NCH = ROWS_W // CHUNK


def _sc_gather_one(tab, bias1, idx):
  mesh = plsc.VectorSubcoreMesh(core_axis_name="c", subcore_axis_name="s")

  @functools.partial(
      pl.kernel,
      mesh=mesh,
      out_type=[
          jax.ShapeDtypeStruct((B, F), jnp.float32),
          jax.ShapeDtypeStruct((B,), jnp.float32),
      ],
      scratch_types=[
          pltpu.VMEM((NCH, CHUNK), jnp.int32),
          pltpu.VMEM((CHUNK, F), jnp.float32),
          pltpu.VMEM((CHUNK, F), jnp.float32),
          pltpu.VMEM((ROWS_W,), jnp.float32),
          pltpu.SemaphoreType.DMA,
          pltpu.SemaphoreType.DMA,
          pltpu.SemaphoreType.DMA,
      ],
      compiler_params=pltpu.CompilerParams(use_tc_tiling_on_sc=False),
  )
  def k(tab_h, bias_h, idx_h, rows_out, bias_out,
        idx_v, buf_a, buf_b, bias_v, sem_a, sem_b, sem_c):
    wid = lax.axis_index("s") * NC + lax.axis_index("c")
    base = wid * ROWS_W
    pltpu.sync_copy(idx_h.at[wid], idx_v)
    bias_copies = []
    for j in range(NCH):
      r = pl.ds(j * CHUNK, CHUNK)
      bias_copies.append(
          pltpu.async_copy(bias_h.at[idx_v.at[j]], bias_v.at[r], sem_c))
    bufs = [(buf_a, sem_a), (buf_b, sem_b)]

    def issue(j):
      buf, sem = bufs[j % 2]
      return pltpu.async_copy(tab_h.at[idx_v.at[j]], buf, sem)

    cur = issue(0)
    for j in range(NCH):
      nxt = issue(j + 1) if j + 1 < NCH else None
      cur.wait()
      buf, _ = bufs[j % 2]
      pltpu.sync_copy(buf, rows_out.at[pl.ds(base + j * CHUNK, CHUNK)])
      cur = nxt
    for c in bias_copies:
      c.wait()
    pltpu.sync_copy(bias_v, bias_out.at[pl.ds(base, ROWS_W)])

  return k(tab, bias1, idx)


BLK = 2048


def _tc_body(u_r, it_r, ub_r, ib_r,
             w1u_r, w1ub_r, w1i_r, w1ib_r, b1_r,
             w2_r, b2_r, w3_r, b3_r, w4_r, b4_r, sd_r, out_r):
  u = u_r[...]
  it = it_r[...]
  ub = ub_r[...]
  ib = ib_r[...]
  sd = jnp.sum(u * it, axis=1, keepdims=True) + ub + ib
  h = jnp.dot(u, w1u_r[...], preferred_element_type=jnp.float32)
  h = h + jnp.dot(it, w1i_r[...], preferred_element_type=jnp.float32)
  h = h + ub * w1ub_r[...] + ib * w1ib_r[...] + b1_r[...]
  h = jnp.maximum(h, 0.0)
  h = jnp.dot(h, w2_r[...], preferred_element_type=jnp.float32) + b2_r[...]
  h = jnp.maximum(h, 0.0)
  h = jnp.dot(h, w3_r[...], preferred_element_type=jnp.float32) + b3_r[...] + sd
  out = jnp.dot(h, w4_r[...], preferred_element_type=jnp.float32) + b4_r[...]
  sd_r[...] = sd
  out_r[...] = out


def _tc_mlp(u, it, ub, ib, w1u, w1ub, w1i, w1ib, b1, w2, b2, w3, b3, w4, b4):
  full = lambda shape: pl.BlockSpec(shape, lambda i: (0, 0))
  rows = lambda shape: pl.BlockSpec(shape, lambda i: (i, 0))
  return pl.pallas_call(
      _tc_body,
      grid=(B // BLK,),
      in_specs=[
          rows((BLK, F)), rows((BLK, F)), rows((BLK, 1)), rows((BLK, 1)),
          full((F, H)), full((1, H)), full((F, H)), full((1, H)), full((1, H)),
          full((H, H)), full((1, H)), full((H, H)), full((1, H)),
          full((H, 1)), full((1, 1)),
      ],
      out_specs=[rows((BLK, 1)), rows((BLK, 1))],
      out_shape=[
          jax.ShapeDtypeStruct((B, 1), jnp.float32),
          jax.ShapeDtypeStruct((B, 1), jnp.float32),
      ],
  )(u, it, ub, ib, w1u, w1ub, w1i, w1ib, b1, w2, b2, w3, b3, w4, b4)


def kernel(item_in, user_in, user_factors, user_bias, item_factors, item_bias,
           W1, b1, W2, b2, W3, b3, W4, b4):
  uidx = user_in.reshape(NW, NCH, CHUNK)
  iidx = item_in.reshape(NW, NCH, CHUNK)
  ub1 = user_bias.reshape(-1)
  ib1 = item_bias.reshape(-1)
  ug, ubg = _sc_gather_one(user_factors, ub1, uidx)
  itg, ibg = _sc_gather_one(item_factors, ib1, iidx)
  w1u = W1[0:F]
  w1ub = W1[F:F + 1]
  w1i = W1[F + 1:2 * F + 1]
  w1ib = W1[2 * F + 1:2 * F + 2]
  sd, out = _tc_mlp(ug, itg, ubg.reshape(B, 1), ibg.reshape(B, 1),
                    w1u, w1ub, w1i, w1ib, b1.reshape(1, H),
                    W2, b2.reshape(1, H), W3, b3.reshape(1, H), W4,
                    b4.reshape(1, 1))
  return (sd, out)

# --- scband reference (transcript-rebuilt; emitter-appended) ---
"""Pipeline reference for scband-collaborative-filtering-30494267802273 (READ-ONLY COPY).

The authoritative reference and input builder live on the scoring server;
editing this copy changes nothing except your own understanding.
"""

import jax, jax.numpy as jnp
import numpy as np

NUM_USERS = 100000
NUM_ITEMS = 100000
F = 64
H = 100
B = 16384


def setup_inputs(seed: int = 0) -> dict:
    key = jax.random.key(seed)
    ks = jax.random.split(key, 16)
    item_in = jax.random.randint(ks[0], (B, 1), 0, NUM_ITEMS, dtype=jnp.int32)
    user_in = jax.random.randint(ks[1], (B, 1), 0, NUM_USERS, dtype=jnp.int32)
    user_factors = jax.random.normal(ks[2], (NUM_USERS, F), dtype=jnp.float32) * 0.05
    user_bias = jax.random.normal(ks[3], (NUM_USERS, 1), dtype=jnp.float32) * 0.05
    item_factors = jax.random.normal(ks[4], (NUM_ITEMS, F), dtype=jnp.float32) * 0.05
    item_bias = jax.random.normal(ks[5], (NUM_ITEMS, 1), dtype=jnp.float32) * 0.05
    D = 2 * F + 2
    W1 = jax.random.normal(ks[6], (D, H), dtype=jnp.float32) * (1.0 / np.sqrt(D))
    b1 = jnp.zeros((H,), dtype=jnp.float32)
    W2 = jax.random.normal(ks[7], (H, H), dtype=jnp.float32) * (1.0 / np.sqrt(H))
    b2 = jnp.zeros((H,), dtype=jnp.float32)
    W3 = jax.random.normal(ks[8], (H, H), dtype=jnp.float32) * (1.0 / np.sqrt(H))
    b3 = jnp.zeros((H,), dtype=jnp.float32)
    W4 = jax.random.normal(ks[9], (H, 1), dtype=jnp.float32) * (1.0 / np.sqrt(H))
    b4 = jnp.zeros((1,), dtype=jnp.float32)
    return {
        'item_in': item_in, 'user_in': user_in,
        'user_factors': user_factors, 'user_bias': user_bias,
        'item_factors': item_factors, 'item_bias': item_bias,
        'W1': W1, 'b1': b1, 'W2': W2, 'b2': b2,
        'W3': W3, 'b3': b3, 'W4': W4, 'b4': b4,
    }


def reference(item_in, user_in, user_factors, user_bias, item_factors, item_bias,
              W1, b1, W2, b2, W3, b3, W4, b4):
    item_idx = item_in[:, 0]
    user_idx = user_in[:, 0]
    # Embedding lookups (gather)
    u = jnp.take(user_factors, user_idx, axis=0)      # [B, F]
    ub = jnp.take(user_bias, user_idx, axis=0)        # [B, 1]
    it = jnp.take(item_factors, item_idx, axis=0)     # [B, F]
    ib = jnp.take(item_bias, item_idx, axis=0)        # [B, 1]
    # simple_dot = dot(user_pref, item_factors) + user_bias + item_bias
    simple_dot = jnp.sum(u * it, axis=-1, keepdims=True) + ub + ib  # [B, 1]
    # MLP branch on concatenated features
    x = jnp.concatenate([u, ub, it, ib], axis=-1)     # [B, 2F+2]
    x = jax.nn.relu(x @ W1 + b1)
    x = jax.nn.relu(x @ W2 + b2)
    # Dropout is inactive at inference
    x = x @ W3 + b3
    x = x + simple_dot                                 # broadcast add [B,H] + [B,1]
    out = x @ W4 + b4                                  # [B, 1]
    return (simple_dot, out)

if __name__ == "__main__":
    import jax
    _d = setup_inputs()
    print(jax.jit(kernel)(*tuple(_d.values())))

</pallas_src>

<mosaic_0001>
#map = affine_map<(d0, d1) -> (0, 0)>
#map1 = affine_map<(d0, d1) -> (0)>
#map2 = affine_map<(d0, d1) -> (0, 0, 0)>
module attributes {stable_mosaic.version = 14 : i64} {
  func.func @k(%arg0: i32, %arg1: i32, %arg2: memref<100000x64xf32, #tpu.memory_space<hbm>>, %arg3: memref<100000xf32, #tpu.memory_space<hbm>>, %arg4: memref<32x4x128xi32, #tpu.memory_space<hbm>>, %arg5: memref<16384x64xf32, #tpu.memory_space<hbm>>, %arg6: memref<16384xf32, #tpu.memory_space<hbm>>, %arg7: memref<4x128xi32, #tpu.memory_space<vmem>>, %arg8: memref<128x64xf32, #tpu.memory_space<vmem>>, %arg9: memref<128x64xf32, #tpu.memory_space<vmem>>, %arg10: memref<512xf32, #tpu.memory_space<vmem>>, %arg11: memref<!tpu.dma_semaphore, #tpu.memory_space<semaphore_mem>>, %arg12: memref<!tpu.dma_semaphore, #tpu.memory_space<semaphore_mem>>, %arg13: memref<!tpu.dma_semaphore, #tpu.memory_space<semaphore_mem>>) attributes {dimension_semantics = [#tpu.dimension_semantics<core_parallel>, #tpu.dimension_semantics<subcore_parallel>], iteration_bounds = array<i64: 2, 16>, scalar_prefetch = 0 : i64, scratch_operands = 7 : i64, tpu.core_type = #tpu.core_type<sc_vector_subcore>, window_params = [{transform_indices = #map}, {transform_indices = #map1}, {transform_indices = #map2}, {transform_indices = #map}, {transform_indices = #map1}]} {
    %mul3A = arith.constant 2 : i32
    %mul3A_0 = arith.muli %arg1, %mul3A : i32
    %add3A = arith.addi %mul3A_0, %arg0 : i32
    %mul3A_1 = arith.constant 512 : i32
    %mul3A_2 = arith.muli %add3A, %mul3A_1 : i32
    "tpu.region"() ({
      %run_scoped3A = tpu.sem_alloc : memref<!tpu.dma_semaphore, #tpu.memory_space<semaphore_mem>>
      %dma_start3A_129 = arith.constant 0 : i32
      %dma_start3A_130 = arith.constant 0 : i32
      %dma_start3A_131 = tpu.memref_slice %arg4[%add3A, %dma_start3A_129, %dma_start3A_130] : memref<32x4x128xi32, #tpu.memory_space<hbm>> -> memref<1x4x128xi32, #tpu.memory_space<hbm>>
      %dma_start3A_132 = tpu.memref_squeeze %dma_start3A_131 : memref<1x4x128xi32, #tpu.memory_space<hbm>> -> memref<4x128xi32, #tpu.memory_space<hbm>>
      %dma_start3A_133 = arith.constant 0 : i32
      %dma_start3A_134 = arith.constant 0 : i32
      %dma_start3A_135 = tpu.memref_slice %arg4[%add3A, %dma_start3A_133, %dma_start3A_134] : memref<32x4x128xi32, #tpu.memory_space<hbm>> -> memref<1x4x128xi32, #tpu.memory_space<hbm>>
      %dma_start3A_136 = tpu.memref_squeeze %dma_start3A_135 : memref<1x4x128xi32, #tpu.memory_space<hbm>> -> memref<4x128xi32, #tpu.memory_space<hbm>>
      tpu.enqueue_dma source(%dma_start3A_136 : memref<4x128xi32, #tpu.memory_space<hbm>>) target(%arg7 : memref<4x128xi32, #tpu.memory_space<vmem>>) target_semaphore(%run_scoped3A : memref<!tpu.dma_semaphore, #tpu.memory_space<semaphore_mem>>)
      %dma_wait3A_137 = arith.constant 0 : i32
      %dma_wait3A_138 = arith.constant 0 : i32
      %dma_wait3A_139 = tpu.memref_slice %arg4[%add3A, %dma_wait3A_137, %dma_wait3A_138] : memref<32x4x128xi32, #tpu.memory_space<hbm>> -> memref<1x4x128xi32, #tpu.memory_space<hbm>>
      %dma_wait3A_140 = tpu.memref_squeeze %dma_wait3A_139 : memref<1x4x128xi32, #tpu.memory_space<hbm>> -> memref<4x128xi32, #tpu.memory_space<hbm>>
      %dma_wait3A_141 = arith.constant 0 : i32
      %dma_wait3A_142 = arith.constant 0 : i32
      %dma_wait3A_143 = tpu.memref_slice %arg4[%add3A, %dma_wait3A_141, %dma_wait3A_142] : memref<32x4x128xi32, #tpu.memory_space<hbm>> -> memref<1x4x128xi32, #tpu.memory_space<hbm>>
      %dma_wait3A_144 = tpu.memref_squeeze %dma_wait3A_143 : memref<1x4x128xi32, #tpu.memory_space<hbm>> -> memref<4x128xi32, #tpu.memory_space<hbm>>
      tpu.wait_dma2 semaphore(%run_scoped3A : memref<!tpu.dma_semaphore, #tpu.memory_space<semaphore_mem>>) src(%dma_wait3A_144 : memref<4x128xi32, #tpu.memory_space<hbm>>) dst(%arg7 : memref<4x128xi32, #tpu.memory_space<vmem>>)
      tpu.yield
    }) : () -> ()
    %dma_start3A = arith.constant 0 : i32
    %dma_start3A_3 = arith.constant 0 : i32
    %dma_start3A_4 = tpu.memref_slice %arg10[%dma_start3A_3] : memref<512xf32, #tpu.memory_space<vmem>> -> memref<128xf32, #tpu.memory_space<vmem>>
    %dma_start3A_5 = arith.constant 0 : i32
    %dma_start3A_6 = tpu.memref_slice %arg7[%dma_start3A, %dma_start3A_5] : memref<4x128xi32, #tpu.memory_space<vmem>> -> memref<1x128xi32, #tpu.memory_space<vmem>>
    %dma_start3A_7 = tpu.memref_squeeze %dma_start3A_6 : memref<1x128xi32, #tpu.memory_space<vmem>> -> memref<128xi32, #tpu.memory_space<vmem>>
    %dma_start3A_8 = arith.constant 0 : i32
    %dma_start3A_9 = tpu.memref_slice %arg3[%dma_start3A_8] : memref<100000xf32, #tpu.memory_space<hbm>> -> memref<100000xf32, #tpu.memory_space<hbm>>
    tpu.enqueue_indirect_dma source(%dma_start3A_9 : memref<100000xf32, #tpu.memory_space<hbm>>) target(%dma_start3A_4 : memref<128xf32, #tpu.memory_space<vmem>>) offsets(%dma_start3A_7 : memref<128xi32, #tpu.memory_space<vmem>>) semaphore(%arg13 : memref<!tpu.dma_semaphore, #tpu.memory_space<semaphore_mem>>)
    %dma_start3A_10 = arith.constant 1 : i32
    %dma_start3A_11 = arith.constant 128 : i32
    %dma_start3A_12 = tpu.memref_slice %arg10[%dma_start3A_11] : memref<512xf32, #tpu.memory_space<vmem>> -> memref<128xf32, #tpu.memory_space<vmem>>
    %dma_start3A_13 = arith.constant 0 : i32
    %dma_start3A_14 = tpu.memref_slice %arg7[%dma_start3A_10, %dma_start3A_13] : memref<4x128xi32, #tpu.memory_space<vmem>> -> memref<1x128xi32, #tpu.memory_space<vmem>>
    %dma_start3A_15 = tpu.memref_squeeze %dma_start3A_14 : memref<1x128xi32, #tpu.memory_space<vmem>> -> memref<128xi32, #tpu.memory_space<vmem>>
    %dma_start3A_16 = arith.constant 0 : i32
    %dma_start3A_17 = tpu.memref_slice %arg3[%dma_start3A_16] : memref<100000xf32, #tpu.memory_space<hbm>> -> memref<100000xf32, #tpu.memory_space<hbm>>
    tpu.enqueue_indirect_dma source(%dma_start3A_17 : memref<100000xf32, #tpu.memory_space<hbm>>) target(%dma_start3A_12 : memref<128xf32, #tpu.memory_space<vmem>>) offsets(%dma_start3A_15 : memref<128xi32, #tpu.memory_space<vmem>>) semaphore(%arg13 : memref<!tpu.dma_semaphore, #tpu.memory_space<semaphore_mem>>)
    %dma_start3A_18 = arith.constant 2 : i32
    %dma_start3A_19 = arith.constant 256 : i32
    %dma_start3A_20 = tpu.memref_slice %arg10[%dma_start3A_19] : memref<512xf32, #tpu.memory_space<vmem>> -> memref<128xf32, #tpu.memory_space<vmem>>
    %dma_start3A_21 = arith.constant 0 : i32
    %dma_start3A_22 = tpu.memref_slice %arg7[%dma_start3A_18, %dma_start3A_21] : memref<4x128xi32, #tpu.memory_space<vmem>> -> memref<1x128xi32, #tpu.memory_space<vmem>>
    %dma_start3A_23 = tpu.memref_squeeze %dma_start3A_22 : memref<1x128xi32, #tpu.memory_space<vmem>> -> memref<128xi32, #tpu.memory_space<vmem>>
    %dma_start3A_24 = arith.constant 0 : i32
    %dma_start3A_25 = tpu.memref_slice %arg3[%dma_start3A_24] : memref<100000xf32, #tpu.memory_space<hbm>> -> memref<100000xf32, #tpu.memory_space<hbm>>
    tpu.enqueue_indirect_dma source(%dma_start3A_25 : memref<100000xf32, #tpu.memory_space<hbm>>) target(%dma_start3A_20 : memref<128xf32, #tpu.memory_space<vmem>>) offsets(%dma_start3A_23 : memref<128xi32, #tpu.memory_space<vmem>>) semaphore(%arg13 : memref<!tpu.dma_semaphore, #tpu.memory_space<semaphore_mem>>)
    %dma_start3A_26 = arith.constant 3 : i32
    %dma_start3A_27 = arith.constant 384 : i32
    %dma_start3A_28 = tpu.memref_slice %arg10[%dma_start3A_27] : memref<512xf32, #tpu.memory_space<vmem>> -> memref<128xf32, #tpu.memory_space<vmem>>
    %dma_start3A_29 = arith.constant 0 : i32
    %dma_start3A_30 = tpu.memref_slice %arg7[%dma_start3A_26, %dma_start3A_29] : memref<4x128xi32, #tpu.memory_space<vmem>> -> memref<1x128xi32, #tpu.memory_space<vmem>>
    %dma_start3A_31 = tpu.memref_squeeze %dma_start3A_30 : memref<1x128xi32, #tpu.memory_space<vmem>> -> memref<128xi32, #tpu.memory_space<vmem>>
    %dma_start3A_32 = arith.constant 0 : i32
    %dma_start3A_33 = tpu.memref_slice %arg3[%dma_start3A_32] : memref<100000xf32, #tpu.memory_space<hbm>> -> memref<100000xf32, #tpu.memory_space<hbm>>
    tpu.enqueue_indirect_dma source(%dma_start3A_33 : memref<100000xf32, #tpu.memory_space<hbm>>) target(%dma_start3A_28 : memref<128xf32, #tpu.memory_space<vmem>>) offsets(%dma_start3A_31 : memref<128xi32, #tpu.memory_space<vmem>>) semaphore(%arg13 : memref<!tpu.dma_semaphore, #tpu.memory_space<semaphore_mem>>)
    %dma_start3A_34 = arith.constant 0 : i32
    %dma_start3A_35 = arith.constant 0 : i32
    %dma_start3A_36 = tpu.memref_slice %arg7[%dma_start3A_34, %dma_start3A_35] : memref<4x128xi32, #tpu.memory_space<vmem>> -> memref<1x128xi32, #tpu.memory_space<vmem>>
    %dma_start3A_37 = tpu.memref_squeeze %dma_start3A_36 : memref<1x128xi32, #tpu.memory_space<vmem>> -> memref<128xi32, #tpu.memory_space<vmem>>
    %dma_start3A_38 = arith.constant 0 : i32
    %dma_start3A_39 = arith.constant 0 : i32
    %dma_start3A_40 = tpu.memref_slice %arg2[%dma_start3A_38, %dma_start3A_39] : memref<100000x64xf32, #tpu.memory_space<hbm>> -> memref<100000x64xf32, #tpu.memory_space<hbm>>
    tpu.enqueue_indirect_dma source(%dma_start3A_40 : memref<100000x64xf32, #tpu.memory_space<hbm>>) target(%arg8 : memref<128x64xf32, #tpu.memory_space<vmem>>) offsets(%dma_start3A_37 : memref<128xi32, #tpu.memory_space<vmem>>) semaphore(%arg11 : memref<!tpu.dma_semaphore, #tpu.memory_space<semaphore_mem>>)
    %dma_start3A_41 = arith.constant 1 : i32
    %dma_start3A_42 = arith.constant 0 : i32
    %dma_start3A_43 = tpu.memref_slice %arg7[%dma_start3A_41, %dma_start3A_42] : memref<4x128xi32, #tpu.memory_space<vmem>> -> memref<1x128xi32, #tpu.memory_space<vmem>>
    %dma_start3A_44 = tpu.memref_squeeze %dma_start3A_43 : memref<1x128xi32, #tpu.memory_space<vmem>> -> memref<128xi32, #tpu.memory_space<vmem>>
    %dma_start3A_45 = arith.constant 0 : i32
    %dma_start3A_46 = arith.constant 0 : i32
    %dma_start3A_47 = tpu.memref_slice %arg2[%dma_start3A_45, %dma_start3A_46] : memref<100000x64xf32, #tpu.memory_space<hbm>> -> memref<100000x64xf32, #tpu.memory_space<hbm>>
    tpu.enqueue_indirect_dma source(%dma_start3A_47 : memref<100000x64xf32, #tpu.memory_space<hbm>>) target(%arg9 : memref<128x64xf32, #tpu.memory_space<vmem>>) offsets(%dma_start3A_44 : memref<128xi32, #tpu.memory_space<vmem>>) semaphore(%arg12 : memref<!tpu.dma_semaphore, #tpu.memory_space<semaphore_mem>>)
    %dma_wait3A = arith.constant 0 : i32
    %dma_wait3A_48 = arith.constant 0 : i32
    %dma_wait3A_49 = tpu.memref_slice %arg7[%dma_wait3A, %dma_wait3A_48] : memref<4x128xi32, #tpu.memory_space<vmem>> -> memref<1x128xi32, #tpu.memory_space<vmem>>
    %dma_wait3A_50 = tpu.memref_squeeze %dma_wait3A_49 : memref<1x128xi32, #tpu.memory_space<vmem>> -> memref<128xi32, #tpu.memory_space<vmem>>
    %dma_wait3A_51 = arith.constant 0 : i32
    %dma_wait3A_52 = arith.constant 0 : i32
    %dma_wait3A_53 = tpu.memref_slice %arg2[%dma_wait3A_51, %dma_wait3A_52] : memref<100000x64xf32, #tpu.memory_space<hbm>> -> memref<100000x64xf32, #tpu.memory_space<hbm>>
    tpu.wait_indirect_dma semaphore(%arg11 : memref<!tpu.dma_semaphore, #tpu.memory_space<semaphore_mem>>) src(%dma_wait3A_53 : memref<100000x64xf32, #tpu.memory_space<hbm>>) dst(%arg8 : memref<128x64xf32, #tpu.memory_space<vmem>>)
    %add3A_54 = arith.constant 0 : i32
    %add3A_55 = arith.addi %mul3A_2, %add3A_54 : i32
    "tpu.region"() ({
      %run_scoped3A = tpu.sem_alloc : memref<!tpu.dma_semaphore, #tpu.memory_space<semaphore_mem>>
      %dma_start3A_129 = arith.constant 0 : i32
      %dma_start3A_130 = tpu.memref_slice %arg5[%add3A_55, %dma_start3A_129] : memref<16384x64xf32, #tpu.memory_space<hbm>> -> memref<128x64xf32, #tpu.memory_space<hbm>>
      %dma_start3A_131 = arith.constant 0 : i32
      %dma_start3A_132 = tpu.memref_slice %arg5[%add3A_55, %dma_start3A_131] : memref<16384x64xf32, #tpu.memory_space<hbm>> -> memref<128x64xf32, #tpu.memory_space<hbm>>
      tpu.enqueue_dma source(%arg8 : memref<128x64xf32, #tpu.memory_space<vmem>>) target(%dma_start3A_132 : memref<128x64xf32, #tpu.memory_space<hbm>>) target_semaphore(%run_scoped3A : memref<!tpu.dma_semaphore, #tpu.memory_space<semaphore_mem>>)
      %dma_wait3A_133 = arith.constant 0 : i32
      %dma_wait3A_134 = tpu.memref_slice %arg5[%add3A_55, %dma_wait3A_133] : memref<16384x64xf32, #tpu.memory_space<hbm>> -> memref<128x64xf32, #tpu.memory_space<hbm>>
      %dma_wait3A_135 = arith.constant 0 : i32
      %dma_wait3A_136 = tpu.memref_slice %arg5[%add3A_55, %dma_wait3A_135] : memref<16384x64xf32, #tpu.memory_space<hbm>> -> memref<128x64xf32, #tpu.memory_space<hbm>>
      tpu.wait_dma2 semaphore(%run_scoped3A : memref<!tpu.dma_semaphore, #tpu.memory_space<semaphore_mem>>) src(%arg8 : memref<128x64xf32, #tpu.memory_space<vmem>>) dst(%dma_wait3A_136 : memref<128x64xf32, #tpu.memory_space<hbm>>)
      tpu.yield
    }) : () -> ()
    %dma_start3A_56 = arith.constant 2 : i32
    %dma_start3A_57 = arith.constant 0 : i32
    %dma_start3A_58 = tpu.memref_slice %arg7[%dma_start3A_56, %dma_start3A_57] : memref<4x128xi32, #tpu.memory_space<vmem>> -> memref<1x128xi32, #tpu.memory_space<vmem>>
    %dma_start3A_59 = tpu.memref_squeeze %dma_start3A_58 : memref<1x128xi32, #tpu.memory_space<vmem>> -> memref<128xi32, #tpu.memory_space<vmem>>
    %dma_start3A_60 = arith.constant 0 : i32
    %dma_start3A_61 = arith.constant 0 : i32
    %dma_start3A_62 = tpu.memref_slice %arg2[%dma_start3A_60, %dma_start3A_61] : memref<100000x64xf32, #tpu.memory_space<hbm>> -> memref<100000x64xf32, #tpu.memory_space<hbm>>
    tpu.enqueue_indirect_dma source(%dma_start3A_62 : memref<100000x64xf32, #tpu.memory_space<hbm>>) target(%arg8 : memref<128x64xf32, #tpu.memory_space<vmem>>) offsets(%dma_start3A_59 : memref<128xi32, #tpu.memory_space<vmem>>) semaphore(%arg11 : memref<!tpu.dma_semaphore, #tpu.memory_space<semaphore_mem>>)
    %dma_wait3A_63 = arith.constant 1 : i32
    %dma_wait3A_64 = arith.constant 0 : i32
    %dma_wait3A_65 = tpu.memref_slice %arg7[%dma_wait3A_63, %dma_wait3A_64] : memref<4x128xi32, #tpu.memory_space<vmem>> -> memref<1x128xi32, #tpu.memory_space<vmem>>
    %dma_wait3A_66 = tpu.memref_squeeze %dma_wait3A_65 : memref<1x128xi32, #tpu.memory_space<vmem>> -> memref<128xi32, #tpu.memory_space<vmem>>
    %dma_wait3A_67 = arith.constant 0 : i32
    %dma_wait3A_68 = arith.constant 0 : i32
    %dma_wait3A_69 = tpu.memref_slice %arg2[%dma_wait3A_67, %dma_wait3A_68] : memref<100000x64xf32, #tpu.memory_space<hbm>> -> memref<100000x64xf32, #tpu.memory_space<hbm>>
    tpu.wait_indirect_dma semaphore(%arg12 : memref<!tpu.dma_semaphore, #tpu.memory_space<semaphore_mem>>) src(%dma_wait3A_69 : memref<100000x64xf32, #tpu.memory_space<hbm>>) dst(%arg9 : memref<128x64xf32, #tpu.memory_space<vmem>>)
    %add3A_70 = arith.constant 128 : i32
    %add3A_71 = arith.addi %mul3A_2, %add3A_70 : i32
    "tpu.region"() ({
      %run_scoped3A = tpu.sem_alloc : memref<!tpu.dma_semaphore, #tpu.memory_space<semaphore_mem>>
      %dma_start3A_129 = arith.constant 0 : i32
      %dma_start3A_130 = tpu.memref_slice %arg5[%add3A_71, %dma_start3A_129] : memref<16384x64xf32, #tpu.memory_space<hbm>> -> memref<128x64xf32, #tpu.memory_space<hbm>>
      %dma_start3A_131 = arith.constant 0 : i32
      %dma_start3A_132 = tpu.memref_slice %arg5[%add3A_71, %dma_start3A_131] : memref<16384x64xf32, #tpu.memory_space<hbm>> -> memref<128x64xf32, #tpu.memory_space<hbm>>
      tpu.enqueue_dma source(%arg9 : memref<128x64xf32, #tpu.memory_space<vmem>>) target(%dma_start3A_132 : memref<128x64xf32, #tpu.memory_space<hbm>>) target_semaphore(%run_scoped3A : memref<!tpu.dma_semaphore, #tpu.memory_space<semaphore_mem>>)
      %dma_wait3A_133 = arith.constant 0 : i32
      %dma_wait3A_134 = tpu.memref_slice %arg5[%add3A_71, %dma_wait3A_133] : memref<16384x64xf32, #tpu.memory_space<hbm>> -> memref<128x64xf32, #tpu.memory_space<hbm>>
      %dma_wait3A_135 = arith.constant 0 : i32
      %dma_wait3A_136 = tpu.memref_slice %arg5[%add3A_71, %dma_wait3A_135] : memref<16384x64xf32, #tpu.memory_space<hbm>> -> memref<128x64xf32, #tpu.memory_space<hbm>>
      tpu.wait_dma2 semaphore(%run_scoped3A : memref<!tpu.dma_semaphore, #tpu.memory_space<semaphore_mem>>) src(%arg9 : memref<128x64xf32, #tpu.memory_space<vmem>>) dst(%dma_wait3A_136 : memref<128x64xf32, #tpu.memory_space<hbm>>)
      tpu.yield
    }) : () -> ()
    %dma_start3A_72 = arith.constant 3 : i32
    %dma_start3A_73 = arith.constant 0 : i32
    %dma_start3A_74 = tpu.memref_slice %arg7[%dma_start3A_72, %dma_start3A_73] : memref<4x128xi32, #tpu.memory_space<vmem>> -> memref<1x128xi32, #tpu.memory_space<vmem>>
    %dma_start3A_75 = tpu.memref_squeeze %dma_start3A_74 : memref<1x128xi32, #tpu.memory_space<vmem>> -> memref<128xi32, #tpu.memory_space<vmem>>
    %dma_start3A_76 = arith.constant 0 : i32
    %dma_start3A_77 = arith.constant 0 : i32
    %dma_start3A_78 = tpu.memref_slice %arg2[%dma_start3A_76, %dma_start3A_77] : memref<100000x64xf32, #tpu.memory_space<hbm>> -> memref<100000x64xf32, #tpu.memory_space<hbm>>
    tpu.enqueue_indirect_dma source(%dma_start3A_78 : memref<100000x64xf32, #tpu.memory_space<hbm>>) target(%arg9 : memref<128x64xf32, #tpu.memory_space<vmem>>) offsets(%dma_start3A_75 : memref<128xi32, #tpu.memory_space<vmem>>) semaphore(%arg12 : memref<!tpu.dma_semaphore, #tpu.memory_space<semaphore_mem>>)
    %dma_wait3A_79 = arith.constant 2 : i32
    %dma_wait3A_80 = arith.constant 0 : i32
    %dma_wait3A_81 = tpu.memref_slice %arg7[%dma_wait3A_79, %dma_wait3A_80] : memref<4x128xi32, #tpu.memory_space<vmem>> -> memref<1x128xi32, #tpu.memory_space<vmem>>
    %dma_wait3A_82 = tpu.memref_squeeze %dma_wait3A_81 : memref<1x128xi32, #tpu.memory_space<vmem>> -> memref<128xi32, #tpu.memory_space<vmem>>
    %dma_wait3A_83 = arith.constant 0 : i32
    %dma_wait3A_84 = arith.constant 0 : i32
    %dma_wait3A_85 = tpu.memref_slice %arg2[%dma_wait3A_83, %dma_wait3A_84] : memref<100000x64xf32, #tpu.memory_space<hbm>> -> memref<100000x64xf32, #tpu.memory_space<hbm>>
    tpu.wait_indirect_dma semaphore(%arg11 : memref<!tpu.dma_semaphore, #tpu.memory_space<semaphore_mem>>) src(%dma_wait3A_85 : memref<100000x64xf32, #tpu.memory_space<hbm>>) dst(%arg8 : memref<128x64xf32, #tpu.memory_space<vmem>>)
    %add3A_86 = arith.constant 256 : i32
    %add3A_87 = arith.addi %mul3A_2, %add3A_86 : i32
    "tpu.region"() ({
      %run_scoped3A = tpu.sem_alloc : memref<!tpu.dma_semaphore, #tpu.memory_space<semaphore_mem>>
      %dma_start3A_129 = arith.constant 0 : i32
      %dma_start3A_130 = tpu.memref_slice %arg5[%add3A_87, %dma_start3A_129] : memref<16384x64xf32, #tpu.memory_space<hbm>> -> memref<128x64xf32, #tpu.memory_space<hbm>>
      %dma_start3A_131 = arith.constant 0 : i32
      %dma_start3A_132 = tpu.memref_slice %arg5[%add3A_87, %dma_start3A_131] : memref<16384x64xf32, #tpu.memory_space<hbm>> -> memref<128x64xf32, #tpu.memory_space<hbm>>
      tpu.enqueue_dma source(%arg8 : memref<128x64xf32, #tpu.memory_space<vmem>>) target(%dma_start3A_132 : memref<128x64xf32, #tpu.memory_space<hbm>>) target_semaphore(%run_scoped3A : memref<!tpu.dma_semaphore, #tpu.memory_space<semaphore_mem>>)
      %dma_wait3A_133 = arith.constant 0 : i32
      %dma_wait3A_134 = tpu.memref_slice %arg5[%add3A_87, %dma_wait3A_133] : memref<16384x64xf32, #tpu.memory_space<hbm>> -> memref<128x64xf32, #tpu.memory_space<hbm>>
      %dma_wait3A_135 = arith.constant 0 : i32
      %dma_wait3A_136 = tpu.memref_slice %arg5[%add3A_87, %dma_wait3A_135] : memref<16384x64xf32, #tpu.memory_space<hbm>> -> memref<128x64xf32, #tpu.memory_space<hbm>>
      tpu.wait_dma2 semaphore(%run_scoped3A : memref<!tpu.dma_semaphore, #tpu.memory_space<semaphore_mem>>) src(%arg8 : memref<128x64xf32, #tpu.memory_space<vmem>>) dst(%dma_wait3A_136 : memref<128x64xf32, #tpu.memory_space<hbm>>)
      tpu.yield
    }) : () -> ()
    %dma_wait3A_88 = arith.constant 3 : i32
    %dma_wait3A_89 = arith.constant 0 : i32
    %dma_wait3A_90 = tpu.memref_slice %arg7[%dma_wait3A_88, %dma_wait3A_89] : memref<4x128xi32, #tpu.memory_space<vmem>> -> memref<1x128xi32, #tpu.memory_space<vmem>>
    %dma_wait3A_91 = tpu.memref_squeeze %dma_wait3A_90 : memref<1x128xi32, #tpu.memory_space<vmem>> -> memref<128xi32, #tpu.memory_space<vmem>>
    %dma_wait3A_92 = arith.constant 0 : i32
    %dma_wait3A_93 = arith.constant 0 : i32
    %dma_wait3A_94 = tpu.memref_slice %arg2[%dma_wait3A_92, %dma_wait3A_93] : memref<100000x64xf32, #tpu.memory_space<hbm>> -> memref<100000x64xf32, #tpu.memory_space<hbm>>
    tpu.wait_indirect_dma semaphore(%arg12 : memref<!tpu.dma_semaphore, #tpu.memory_space<semaphore_mem>>) src(%dma_wait3A_94 : memref<100000x64xf32, #tpu.memory_space<hbm>>) dst(%arg9 : memref<128x64xf32, #tpu.memory_space<vmem>>)
    %add3A_95 = arith.constant 384 : i32
    %add3A_96 = arith.addi %mul3A_2, %add3A_95 : i32
    "tpu.region"() ({
      %run_scoped3A = tpu.sem_alloc : memref<!tpu.dma_semaphore, #tpu.memory_space<semaphore_mem>>
      %dma_start3A_129 = arith.constant 0 : i32
      %dma_start3A_130 = tpu.memref_slice %arg5[%add3A_96, %dma_start3A_129] : memref<16384x64xf32, #tpu.memory_space<hbm>> -> memref<128x64xf32, #tpu.memory_space<hbm>>
      %dma_start3A_131 = arith.constant 0 : i32
      %dma_start3A_132 = tpu.memref_slice %arg5[%add3A_96, %dma_start3A_131] : memref<16384x64xf32, #tpu.memory_space<hbm>> -> memref<128x64xf32, #tpu.memory_space<hbm>>
      tpu.enqueue_dma source(%arg9 : memref<128x64xf32, #tpu.memory_space<vmem>>) target(%dma_start3A_132 : memref<128x64xf32, #tpu.memory_space<hbm>>) target_semaphore(%run_scoped3A : memref<!tpu.dma_semaphore, #tpu.memory_space<semaphore_mem>>)
      %dma_wait3A_133 = arith.constant 0 : i32
      %dma_wait3A_134 = tpu.memref_slice %arg5[%add3A_96, %dma_wait3A_133] : memref<16384x64xf32, #tpu.memory_space<hbm>> -> memref<128x64xf32, #tpu.memory_space<hbm>>
      %dma_wait3A_135 = arith.constant 0 : i32
      %dma_wait3A_136 = tpu.memref_slice %arg5[%add3A_96, %dma_wait3A_135] : memref<16384x64xf32, #tpu.memory_space<hbm>> -> memref<128x64xf32, #tpu.memory_space<hbm>>
      tpu.wait_dma2 semaphore(%run_scoped3A : memref<!tpu.dma_semaphore, #tpu.memory_space<semaphore_mem>>) src(%arg9 : memref<128x64xf32, #tpu.memory_space<vmem>>) dst(%dma_wait3A_136 : memref<128x64xf32, #tpu.memory_space<hbm>>)
      tpu.yield
    }) : () -> ()
    %dma_wait3A_97 = arith.constant 0 : i32
    %dma_wait3A_98 = arith.constant 0 : i32
    %dma_wait3A_99 = tpu.memref_slice %arg10[%dma_wait3A_98] : memref<512xf32, #tpu.memory_space<vmem>> -> memref<128xf32, #tpu.memory_space<vmem>>
    %dma_wait3A_100 = arith.constant 0 : i32
    %dma_wait3A_101 = tpu.memref_slice %arg7[%dma_wait3A_97, %dma_wait3A_100] : memref<4x128xi32, #tpu.memory_space<vmem>> -> memref<1x128xi32, #tpu.memory_space<vmem>>
    %dma_wait3A_102 = tpu.memref_squeeze %dma_wait3A_101 : memref<1x128xi32, #tpu.memory_space<vmem>> -> memref<128xi32, #tpu.memory_space<vmem>>
    %dma_wait3A_103 = arith.constant 0 : i32
    %dma_wait3A_104 = tpu.memref_slice %arg3[%dma_wait3A_103] : memref<100000xf32, #tpu.memory_space<hbm>> -> memref<100000xf32, #tpu.memory_space<hbm>>
    tpu.wait_indirect_dma semaphore(%arg13 : memref<!tpu.dma_semaphore, #tpu.memory_space<semaphore_mem>>) src(%dma_wait3A_104 : memref<100000xf32, #tpu.memory_space<hbm>>) dst(%dma_wait3A_99 : memref<128xf32, #tpu.memory_space<vmem>>)
    %dma_wait3A_105 = arith.constant 1 : i32
    %dma_wait3A_106 = arith.constant 128 : i32
    %dma_wait3A_107 = tpu.memref_slice %arg10[%dma_wait3A_106] : memref<512xf32, #tpu.memory_space<vmem>> -> memref<128xf32, #tpu.memory_space<vmem>>
    %dma_wait3A_108 = arith.constant 0 : i32
    %dma_wait3A_109 = tpu.memref_slice %arg7[%dma_wait3A_105, %dma_wait3A_108] : memref<4x128xi32, #tpu.memory_space<vmem>> -> memref<1x128xi32, #tpu.memory_space<vmem>>
    %dma_wait3A_110 = tpu.memref_squeeze %dma_wait3A_109 : memref<1x128xi32, #tpu.memory_space<vmem>> -> memref<128xi32, #tpu.memory_space<vmem>>
    %dma_wait3A_111 = arith.constant 0 : i32
    %dma_wait3A_112 = tpu.memref_slice %arg3[%dma_wait3A_111] : memref<100000xf32, #tpu.memory_space<hbm>> -> memref<100000xf32, #tpu.memory_space<hbm>>
    tpu.wait_indirect_dma semaphore(%arg13 : memref<!tpu.dma_semaphore, #tpu.memory_space<semaphore_mem>>) src(%dma_wait3A_112 : memref<100000xf32, #tpu.memory_space<hbm>>) dst(%dma_wait3A_107 : memref<128xf32, #tpu.memory_space<vmem>>)
    %dma_wait3A_113 = arith.constant 2 : i32
    %dma_wait3A_114 = arith.constant 256 : i32
    %dma_wait3A_115 = tpu.memref_slice %arg10[%dma_wait3A_114] : memref<512xf32, #tpu.memory_space<vmem>> -> memref<128xf32, #tpu.memory_space<vmem>>
    %dma_wait3A_116 = arith.constant 0 : i32
    %dma_wait3A_117 = tpu.memref_slice %arg7[%dma_wait3A_113, %dma_wait3A_116] : memref<4x128xi32, #tpu.memory_space<vmem>> -> memref<1x128xi32, #tpu.memory_space<vmem>>
    %dma_wait3A_118 = tpu.memref_squeeze %dma_wait3A_117 : memref<1x128xi32, #tpu.memory_space<vmem>> -> memref<128xi32, #tpu.memory_space<vmem>>
    %dma_wait3A_119 = arith.constant 0 : i32
    %dma_wait3A_120 = tpu.memref_slice %arg3[%dma_wait3A_119] : memref<100000xf32, #tpu.memory_space<hbm>> -> memref<100000xf32, #tpu.memory_space<hbm>>
    tpu.wait_indirect_dma semaphore(%arg13 : memref<!tpu.dma_semaphore, #tpu.memory_space<semaphore_mem>>) src(%dma_wait3A_120 : memref<100000xf32, #tpu.memory_space<hbm>>) dst(%dma_wait3A_115 : memref<128xf32, #tpu.memory_space<vmem>>)
    %dma_wait3A_121 = arith.constant 3 : i32
    %dma_wait3A_122 = arith.constant 384 : i32
    %dma_wait3A_123 = tpu.memref_slice %arg10[%dma_wait3A_122] : memref<512xf32, #tpu.memory_space<vmem>> -> memref<128xf32, #tpu.memory_space<vmem>>
    %dma_wait3A_124 = arith.constant 0 : i32
    %dma_wait3A_125 = tpu.memref_slice %arg7[%dma_wait3A_121, %dma_wait3A_124] : memref<4x128xi32, #tpu.memory_space<vmem>> -> memref<1x128xi32, #tpu.memory_space<vmem>>
    %dma_wait3A_126 = tpu.memref_squeeze %dma_wait3A_125 : memref<1x128xi32, #tpu.memory_space<vmem>> -> memref<128xi32, #tpu.memory_space<vmem>>
    %dma_wait3A_127 = arith.constant 0 : i32
    %dma_wait3A_128 = tpu.memref_slice %arg3[%dma_wait3A_127] : memref<100000xf32, #tpu.memory_space<hbm>> -> memref<100000xf32, #tpu.memory_space<hbm>>
    tpu.wait_indirect_dma semaphore(%arg13 : memref<!tpu.dma_semaphore, #tpu.memory_space<semaphore_mem>>) src(%dma_wait3A_128 : memref<100000xf32, #tpu.memory_space<hbm>>) dst(%dma_wait3A_123 : memref<128xf32, #tpu.memory_space<vmem>>)
    "tpu.region"() ({
      %run_scoped3A = tpu.sem_alloc : memref<!tpu.dma_semaphore, #tpu.memory_space<semaphore_mem>>
      %dma_start3A_129 = tpu.memref_slice %arg6[%mul3A_2] : memref<16384xf32, #tpu.memory_space<hbm>> -> memref<512xf32, #tpu.memory_space<hbm>>
      %dma_start3A_130 = tpu.memref_slice %arg6[%mul3A_2] : memref<16384xf32, #tpu.memory_space<hbm>> -> memref<512xf32, #tpu.memory_space<hbm>>
      tpu.enqueue_dma source(%arg10 : memref<512xf32, #tpu.memory_space<vmem>>) target(%dma_start3A_130 : memref<512xf32, #tpu.memory_space<hbm>>) target_semaphore(%run_scoped3A : memref<!tpu.dma_semaphore, #tpu.memory_space<semaphore_mem>>)
      %dma_wait3A_131 = tpu.memref_slice %arg6[%mul3A_2] : memref<16384xf32, #tpu.memory_space<hbm>> -> memref<512xf32, #tpu.memory_space<hbm>>
      %dma_wait3A_132 = tpu.memref_slice %arg6[%mul3A_2] : memref<16384xf32, #tpu.memory_space<hbm>> -> memref<512xf32, #tpu.memory_space<hbm>>
      tpu.wait_dma2 semaphore(%run_scoped3A : memref<!tpu.dma_semaphore, #tpu.memory_space<semaphore_mem>>) src(%arg10 : memref<512xf32, #tpu.memory_space<vmem>>) dst(%dma_wait3A_132 : memref<512xf32, #tpu.memory_space<hbm>>)
      tpu.yield
    }) : () -> ()
    return
  }
}

#map = affine_map<(d0, d1) -> (0, 0)>
#map1 = affine_map<(d0, d1) -> (0)>
#map2 = affine_map<(d0, d1) -> (0, 0, 0)>
module attributes {stable_mosaic.version = 14 : i64} {
  func.func @k(%arg0: i32, %arg1: i32, %arg2: memref<100000x64xf32, #tpu.memory_space<hbm>>, %arg3: memref<100000xf32, #tpu.memory_space<hbm>>, %arg4: memref<32x4x128xi32, #tpu.memory_space<hbm>>, %arg5: memref<16384x64xf32, #tpu.memory_space<hbm>>, %arg6: memref<16384xf32, #tpu.memory_space<hbm>>, %arg7: memref<4x128xi32, #tpu.memory_space<vmem>>, %arg8: memref<128x64xf32, #tpu.memory_space<vmem>>, %arg9: memref<128x64xf32, #tpu.memory_space<vmem>>, %arg10: memref<512xf32, #tpu.memory_space<vmem>>, %arg11: memref<!tpu.dma_semaphore, #tpu.memory_space<semaphore_mem>>, %arg12: memref<!tpu.dma_semaphore, #tpu.memory_space<semaphore_mem>>, %arg13: memref<!tpu.dma_semaphore, #tpu.memory_space<semaphore_mem>>) attributes {dimension_semantics = [#tpu.dimension_semantics<core_parallel>, #tpu.dimension_semantics<subcore_parallel>], iteration_bounds = array<i64: 2, 16>, scalar_prefetch = 0 : i64, scratch_operands = 7 : i64, tpu.core_type = #tpu.core_type<sc_vector_subcore>, window_params = [{transform_indices = #map}, {transform_indices = #map1}, {transform_indices = #map2}, {transform_indices = #map}, {transform_indices = #map1}]} {
    %mul3A = arith.constant 2 : i32
    %mul3A_0 = arith.muli %arg1, %mul3A : i32
    %add3A = arith.addi %mul3A_0, %arg0 : i32
    %mul3A_1 = arith.constant 512 : i32
    %mul3A_2 = arith.muli %add3A, %mul3A_1 : i32
    "tpu.region"() ({
      %run_scoped3A = tpu.sem_alloc : memref<!tpu.dma_semaphore, #tpu.memory_space<semaphore_mem>>
      %dma_start3A_129 = arith.constant 0 : i32
      %dma_start3A_130 = arith.constant 0 : i32
      %dma_start3A_131 = tpu.memref_slice %arg4[%add3A, %dma_start3A_129, %dma_start3A_130] : memref<32x4x128xi32, #tpu.memory_space<hbm>> -> memref<1x4x128xi32, #tpu.memory_space<hbm>>
      %dma_start3A_132 = tpu.memref_squeeze %dma_start3A_131 : memref<1x4x128xi32, #tpu.memory_space<hbm>> -> memref<4x128xi32, #tpu.memory_space<hbm>>
      %dma_start3A_133 = arith.constant 0 : i32
      %dma_start3A_134 = arith.constant 0 : i32
      %dma_start3A_135 = tpu.memref_slice %arg4[%add3A, %dma_start3A_133, %dma_start3A_134] : memref<32x4x128xi32, #tpu.memory_space<hbm>> -> memref<1x4x128xi32, #tpu.memory_space<hbm>>
      %dma_start3A_136 = tpu.memref_squeeze %dma_start3A_135 : memref<1x4x128xi32, #tpu.memory_space<hbm>> -> memref<4x128xi32, #tpu.memory_space<hbm>>
      tpu.enqueue_dma source(%dma_start3A_136 : memref<4x128xi32, #tpu.memory_space<hbm>>) target(%arg7 : memref<4x128xi32, #tpu.memory_space<vmem>>) target_semaphore(%run_scoped3A : memref<!tpu.dma_semaphore, #tpu.memory_space<semaphore_mem>>)
      %dma_wait3A_137 = arith.constant 0 : i32
      %dma_wait3A_138 = arith.constant 0 : i32
      %dma_wait3A_139 = tpu.memref_slice %arg4[%add3A, %dma_wait3A_137, %dma_wait3A_138] : memref<32x4x128xi32, #tpu.memory_space<hbm>> -> memref<1x4x128xi32, #tpu.memory_space<hbm>>
      %dma_wait3A_140 = tpu.memref_squeeze %dma_wait3A_139 : memref<1x4x128xi32, #tpu.memory_space<hbm>> -> memref<4x128xi32, #tpu.memory_space<hbm>>
      %dma_wait3A_141 = arith.constant 0 : i32
      %dma_wait3A_142 = arith.constant 0 : i32
      %dma_wait3A_143 = tpu.memref_slice %arg4[%add3A, %dma_wait3A_141, %dma_wait3A_142] : memref<32x4x128xi32, #tpu.memory_space<hbm>> -> memref<1x4x128xi32, #tpu.memory_space<hbm>>
      %dma_wait3A_144 = tpu.memref_squeeze %dma_wait3A_143 : memref<1x4x128xi32, #tpu.memory_space<hbm>> -> memref<4x128xi32, #tpu.memory_space<hbm>>
      tpu.wait_dma2 semaphore(%run_scoped3A : memref<!tpu.dma_semaphore, #tpu.memory_space<semaphore_mem>>) src(%dma_wait3A_144 : memref<4x128xi32, #tpu.memory_space<hbm>>) dst(%arg7 : memref<4x128xi32, #tpu.memory_space<vmem>>)
      tpu.yield
    }) : () -> ()
    %dma_start3A = arith.constant 0 : i32
    %dma_start3A_3 = arith.constant 0 : i32
    %dma_start3A_4 = tpu.memref_slice %arg10[%dma_start3A_3] : memref<512xf32, #tpu.memory_space<vmem>> -> memref<128xf32, #tpu.memory_space<vmem>>
    %dma_start3A_5 = arith.constant 0 : i32
    %dma_start3A_6 = tpu.memref_slice %arg7[%dma_start3A, %dma_start3A_5] : memref<4x128xi32, #tpu.memory_space<vmem>> -> memref<1x128xi32, #tpu.memory_space<vmem>>
    %dma_start3A_7 = tpu.memref_squeeze %dma_start3A_6 : memref<1x128xi32, #tpu.memory_space<vmem>> -> memref<128xi32, #tpu.memory_space<vmem>>
    %dma_start3A_8 = arith.constant 0 : i32
    %dma_start3A_9 = tpu.memref_slice %arg3[%dma_start3A_8] : memref<100000xf32, #tpu.memory_space<hbm>> -> memref<100000xf32, #tpu.memory_space<hbm>>
    tpu.enqueue_indirect_dma source(%dma_start3A_9 : memref<100000xf32, #tpu.memory_space<hbm>>) target(%dma_start3A_4 : memref<128xf32, #tpu.memory_space<vmem>>) offsets(%dma_start3A_7 : memref<128xi32, #tpu.memory_space<vmem>>) semaphore(%arg13 : memref<!tpu.dma_semaphore, #tpu.memory_space<semaphore_mem>>)
    %dma_start3A_10 = arith.constant 1 : i32
    %dma_start3A_11 = arith.constant 128 : i32
    %dma_start3A_12 = tpu.memref_slice %arg10[%dma_start3A_11] : memref<512xf32, #tpu.memory_space<vmem>> -> memref<128xf32, #tpu.memory_space<vmem>>
    %dma_start3A_13 = arith.constant 0 : i32
    %dma_start3A_14 = tpu.memref_slice %arg7[%dma_start3A_10, %dma_start3A_13] : memref<4x128xi32, #tpu.memory_space<vmem>> -> memref<1x128xi32, #tpu.memory_space<vmem>>
    %dma_start3A_15 = tpu.memref_squeeze %dma_start3A_14 : memref<1x128xi32, #tpu.memory_space<vmem>> -> memref<128xi32, #tpu.memory_space<vmem>>
    %dma_start3A_16 = arith.constant 0 : i32
    %dma_start3A_17 = tpu.memref_slice %arg3[%dma_start3A_16] : memref<100000xf32, #tpu.memory_space<hbm>> -> memref<100000xf32, #tpu.memory_space<hbm>>
    tpu.enqueue_indirect_dma source(%dma_start3A_17 : memref<100000xf32, #tpu.memory_space<hbm>>) target(%dma_start3A_12 : memref<128xf32, #tpu.memory_space<vmem>>) offsets(%dma_start3A_15 : memref<128xi32, #tpu.memory_space<vmem>>) semaphore(%arg13 : memref<!tpu.dma_semaphore, #tpu.memory_space<semaphore_mem>>)
    %dma_start3A_18 = arith.constant 2 : i32
    %dma_start3A_19 = arith.constant 256 : i32
    %dma_start3A_20 = tpu.memref_slice %arg10[%dma_start3A_19] : memref<512xf32, #tpu.memory_space<vmem>> -> memref<128xf32, #tpu.memory_space<vmem>>
    %dma_start3A_21 = arith.constant 0 : i32
    %dma_start3A_22 = tpu.memref_slice %arg7[%dma_start3A_18, %dma_start3A_21] : memref<4x128xi32, #tpu.memory_space<vmem>> -> memref<1x128xi32, #tpu.memory_space<vmem>>
    %dma_start3A_23 = tpu.memref_squeeze %dma_start3A_22 : memref<1x128xi32, #tpu.memory_space<vmem>> -> memref<128xi32, #tpu.memory_space<vmem>>
    %dma_start3A_24 = arith.constant 0 : i32
    %dma_start3A_25 = tpu.memref_slice %arg3[%dma_start3A_24] : memref<100000xf32, #tpu.memory_space<hbm>> -> memref<100000xf32, #tpu.memory_space<hbm>>
    tpu.enqueue_indirect_dma source(%dma_start3A_25 : memref<100000xf32, #tpu.memory_space<hbm>>) target(%dma_start3A_20 : memref<128xf32, #tpu.memory_space<vmem>>) offsets(%dma_start3A_23 : memref<128xi32, #tpu.memory_space<vmem>>) semaphore(%arg13 : memref<!tpu.dma_semaphore, #tpu.memory_space<semaphore_mem>>)
    %dma_start3A_26 = arith.constant 3 : i32
    %dma_start3A_27 = arith.constant 384 : i32
    %dma_start3A_28 = tpu.memref_slice %arg10[%dma_start3A_27] : memref<512xf32, #tpu.memory_space<vmem>> -> memref<128xf32, #tpu.memory_space<vmem>>
    %dma_start3A_29 = arith.constant 0 : i32
    %dma_start3A_30 = tpu.memref_slice %arg7[%dma_start3A_26, %dma_start3A_29] : memref<4x128xi32, #tpu.memory_space<vmem>> -> memref<1x128xi32, #tpu.memory_space<vmem>>
    %dma_start3A_31 = tpu.memref_squeeze %dma_start3A_30 : memref<1x128xi32, #tpu.memory_space<vmem>> -> memref<128xi32, #tpu.memory_space<vmem>>
    %dma_start3A_32 = arith.constant 0 : i32
    %dma_start3A_33 = tpu.memref_slice %arg3[%dma_start3A_32] : memref<100000xf32, #tpu.memory_space<hbm>> -> memref<100000xf32, #tpu.memory_space<hbm>>
    tpu.enqueue_indirect_dma source(%dma_start3A_33 : memref<100000xf32, #tpu.memory_space<hbm>>) target(%dma_start3A_28 : memref<128xf32, #tpu.memory_space<vmem>>) offsets(%dma_start3A_31 : memref<128xi32, #tpu.memory_space<vmem>>) semaphore(%arg13 : memref<!tpu.dma_semaphore, #tpu.memory_space<semaphore_mem>>)
    %dma_start3A_34 = arith.constant 0 : i32
    %dma_start3A_35 = arith.constant 0 : i32
    %dma_start3A_36 = tpu.memref_slice %arg7[%dma_start3A_34, %dma_start3A_35] : memref<4x128xi32, #tpu.memory_space<vmem>> -> memref<1x128xi32, #tpu.memory_space<vmem>>
    %dma_start3A_37 = tpu.memref_squeeze %dma_start3A_36 : memref<1x128xi32, #tpu.memory_space<vmem>> -> memref<128xi32, #tpu.memory_space<vmem>>
    %dma_start3A_38 = arith.constant 0 : i32
    %dma_start3A_39 = arith.constant 0 : i32
    %dma_start3A_40 = tpu.memref_slice %arg2[%dma_start3A_38, %dma_start3A_39] : memref<100000x64xf32, #tpu.memory_space<hbm>> -> memref<100000x64xf32, #tpu.memory_space<hbm>>
    tpu.enqueue_indirect_dma source(%dma_start3A_40 : memref<100000x64xf32, #tpu.memory_space<hbm>>) target(%arg8 : memref<128x64xf32, #tpu.memory_space<vmem>>) offsets(%dma_start3A_37 : memref<128xi32, #tpu.memory_space<vmem>>) semaphore(%arg11 : memref<!tpu.dma_semaphore, #tpu.memory_space<semaphore_mem>>)
    %dma_start3A_41 = arith.constant 1 : i32
    %dma_start3A_42 = arith.constant 0 : i32
    %dma_start3A_43 = tpu.memref_slice %arg7[%dma_start3A_41, %dma_start3A_42] : memref<4x128xi32, #tpu.memory_space<vmem>> -> memref<1x128xi32, #tpu.memory_space<vmem>>
    %dma_start3A_44 = tpu.memref_squeeze %dma_start3A_43 : memref<1x128xi32, #tpu.memory_space<vmem>> -> memref<128xi32, #tpu.memory_space<vmem>>
    %dma_start3A_45 = arith.constant 0 : i32
    %dma_start3A_46 = arith.constant 0 : i32
    %dma_start3A_47 = tpu.memref_slice %arg2[%dma_start3A_45, %dma_start3A_46] : memref<100000x64xf32, #tpu.memory_space<hbm>> -> memref<100000x64xf32, #tpu.memory_space<hbm>>
    tpu.enqueue_indirect_dma source(%dma_start3A_47 : memref<100000x64xf32, #tpu.memory_space<hbm>>) target(%arg9 : memref<128x64xf32, #tpu.memory_space<vmem>>) offsets(%dma_start3A_44 : memref<128xi32, #tpu.memory_space<vmem>>) semaphore(%arg12 : memref<!tpu.dma_semaphore, #tpu.memory_space<semaphore_mem>>)
    %dma_wait3A = arith.constant 0 : i32
    %dma_wait3A_48 = arith.constant 0 : i32
    %dma_wait3A_49 = tpu.memref_slice %arg7[%dma_wait3A, %dma_wait3A_48] : memref<4x128xi32, #tpu.memory_space<vmem>> -> memref<1x128xi32, #tpu.memory_space<vmem>>
    %dma_wait3A_50 = tpu.memref_squeeze %dma_wait3A_49 : memref<1x128xi32, #tpu.memory_space<vmem>> -> memref<128xi32, #tpu.memory_space<vmem>>
    %dma_wait3A_51 = arith.constant 0 : i32
    %dma_wait3A_52 = arith.constant 0 : i32
    %dma_wait3A_53 = tpu.memref_slice %arg2[%dma_wait3A_51, %dma_wait3A_52] : memref<100000x64xf32, #tpu.memory_space<hbm>> -> memref<100000x64xf32, #tpu.memory_space<hbm>>
    tpu.wait_indirect_dma semaphore(%arg11 : memref<!tpu.dma_semaphore, #tpu.memory_space<semaphore_mem>>) src(%dma_wait3A_53 : memref<100000x64xf32, #tpu.memory_space<hbm>>) dst(%arg8 : memref<128x64xf32, #tpu.memory_space<vmem>>)
    %add3A_54 = arith.constant 0 : i32
    %add3A_55 = arith.addi %mul3A_2, %add3A_54 : i32
    "tpu.region"() ({
      %run_scoped3A = tpu.sem_alloc : memref<!tpu.dma_semaphore, #tpu.memory_space<semaphore_mem>>
      %dma_start3A_129 = arith.constant 0 : i32
      %dma_start3A_130 = tpu.memref_slice %arg5[%add3A_55, %dma_start3A_129] : memref<16384x64xf32, #tpu.memory_space<hbm>> -> memref<128x64xf32, #tpu.memory_space<hbm>>
      %dma_start3A_131 = arith.constant 0 : i32
      %dma_start3A_132 = tpu.memref_slice %arg5[%add3A_55, %dma_start3A_131] : memref<16384x64xf32, #tpu.memory_space<hbm>> -> memref<128x64xf32, #tpu.memory_space<hbm>>
      tpu.enqueue_dma source(%arg8 : memref<128x64xf32, #tpu.memory_space<vmem>>) target(%dma_start3A_132 : memref<128x64xf32, #tpu.memory_space<hbm>>) target_semaphore(%run_scoped3A : memref<!tpu.dma_semaphore, #tpu.memory_space<semaphore_mem>>)
      %dma_wait3A_133 = arith.constant 0 : i32
      %dma_wait3A_134 = tpu.memref_slice %arg5[%add3A_55, %dma_wait3A_133] : memref<16384x64xf32, #tpu.memory_space<hbm>> -> memref<128x64xf32, #tpu.memory_space<hbm>>
      %dma_wait3A_135 = arith.constant 0 : i32
      %dma_wait3A_136 = tpu.memref_slice %arg5[%add3A_55, %dma_wait3A_135] : memref<16384x64xf32, #tpu.memory_space<hbm>> -> memref<128x64xf32, #tpu.memory_space<hbm>>
      tpu.wait_dma2 semaphore(%run_scoped3A : memref<!tpu.dma_semaphore, #tpu.memory_space<semaphore_mem>>) src(%arg8 : memref<128x64xf32, #tpu.memory_space<vmem>>) dst(%dma_wait3A_136 : memref<128x64xf32, #tpu.memory_space<hbm>>)
      tpu.yield
    }) : () -> ()
    %dma_start3A_56 = arith.constant 2 : i32
    %dma_start3A_57 = arith.constant 0 : i32
    %dma_start3A_58 = tpu.memref_slice %arg7[%dma_start3A_56, %dma_start3A_57] : memref<4x128xi32, #tpu.memory_space<vmem>> -> memref<1x128xi32, #tpu.memory_space<vmem>>
    %dma_start3A_59 = tpu.memref_squeeze %dma_start3A_58 : memref<1x128xi32, #tpu.memory_space<vmem>> -> memref<128xi32, #tpu.memory_space<vmem>>
    %dma_start3A_60 = arith.constant 0 : i32
    %dma_start3A_61 = arith.constant 0 : i32
    %dma_start3A_62 = tpu.memref_slice %arg2[%dma_start3A_60, %dma_start3A_61] : memref<100000x64xf32, #tpu.memory_space<hbm>> -> memref<100000x64xf32, #tpu.memory_space<hbm>>
    tpu.enqueue_indirect_dma source(%dma_start3A_62 : memref<100000x64xf32, #tpu.memory_space<hbm>>) target(%arg8 : memref<128x64xf32, #tpu.memory_space<vmem>>) offsets(%dma_start3A_59 : memref<128xi32, #tpu.memory_space<vmem>>) semaphore(%arg11 : memref<!tpu.dma_semaphore, #tpu.memory_space<semaphore_mem>>)
    %dma_wait3A_63 = arith.constant 1 : i32
    %dma_wait3A_64 = arith.constant 0 : i32
    %dma_wait3A_65 = tpu.memref_slice %arg7[%dma_wait3A_63, %dma_wait3A_64] : memref<4x128xi32, #tpu.memory_space<vmem>> -> memref<1x128xi32, #tpu.memory_space<vmem>>
    %dma_wait3A_66 = tpu.memref_squeeze %dma_wait3A_65 : memref<1x128xi32, #tpu.memory_space<vmem>> -> memref<128xi32, #tpu.memory_space<vmem>>
    %dma_wait3A_67 = arith.constant 0 : i32
    %dma_wait3A_68 = arith.constant 0 : i32
    %dma_wait3A_69 = tpu.memref_slice %arg2[%dma_wait3A_67, %dma_wait3A_68] : memref<100000x64xf32, #tpu.memory_space<hbm>> -> memref<100000x64xf32, #tpu.memory_space<hbm>>
    tpu.wait_indirect_dma semaphore(%arg12 : memref<!tpu.dma_semaphore, #tpu.memory_space<semaphore_mem>>) src(%dma_wait3A_69 : memref<100000x64xf32, #tpu.memory_space<hbm>>) dst(%arg9 : memref<128x64xf32, #tpu.memory_space<vmem>>)
    %add3A_70 = arith.constant 128 : i32
    %add3A_71 = arith.addi %mul3A_2, %add3A_70 : i32
    "tpu.region"() ({
      %run_scoped3A = tpu.sem_alloc : memref<!tpu.dma_semaphore, #tpu.memory_space<semaphore_mem>>
      %dma_start3A_129 = arith.constant 0 : i32
      %dma_start3A_130 = tpu.memref_slice %arg5[%add3A_71, %dma_start3A_129] : memref<16384x64xf32, #tpu.memory_space<hbm>> -> memref<128x64xf32, #tpu.memory_space<hbm>>
      %dma_start3A_131 = arith.constant 0 : i32
      %dma_start3A_132 = tpu.memref_slice %arg5[%add3A_71, %dma_start3A_131] : memref<16384x64xf32, #tpu.memory_space<hbm>> -> memref<128x64xf32, #tpu.memory_space<hbm>>
      tpu.enqueue_dma source(%arg9 : memref<128x64xf32, #tpu.memory_space<vmem>>) target(%dma_start3A_132 : memref<128x64xf32, #tpu.memory_space<hbm>>) target_semaphore(%run_scoped3A : memref<!tpu.dma_semaphore, #tpu.memory_space<semaphore_mem>>)
      %dma_wait3A_133 = arith.constant 0 : i32
      %dma_wait3A_134 = tpu.memref_slice %arg5[%add3A_71, %dma_wait3A_133] : memref<16384x64xf32, #tpu.memory_space<hbm>> -> memref<128x64xf32, #tpu.memory_space<hbm>>
      %dma_wait3A_135 = arith.constant 0 : i32
      %dma_wait3A_136 = tpu.memref_slice %arg5[%add3A_71, %dma_wait3A_135] : memref<16384x64xf32, #tpu.memory_space<hbm>> -> memref<128x64xf32, #tpu.memory_space<hbm>>
      tpu.wait_dma2 semaphore(%run_scoped3A : memref<!tpu.dma_semaphore, #tpu.memory_space<semaphore_mem>>) src(%arg9 : memref<128x64xf32, #tpu.memory_space<vmem>>) dst(%dma_wait3A_136 : memref<128x64xf32, #tpu.memory_space<hbm>>)
      tpu.yield
    }) : () -> ()
    %dma_start3A_72 = arith.constant 3 : i32
    %dma_start3A_73 = arith.constant 0 : i32
    %dma_start3A_74 = tpu.memref_slice %arg7[%dma_start3A_72, %dma_start3A_73] : memref<4x128xi32, #tpu.memory_space<vmem>> -> memref<1x128xi32, #tpu.memory_space<vmem>>
    %dma_start3A_75 = tpu.memref_squeeze %dma_start3A_74 : memref<1x128xi32, #tpu.memory_space<vmem>> -> memref<128xi32, #tpu.memory_space<vmem>>
    %dma_start3A_76 = arith.constant 0 : i32
    %dma_start3A_77 = arith.constant 0 : i32
    %dma_start3A_78 = tpu.memref_slice %arg2[%dma_start3A_76, %dma_start3A_77] : memref<100000x64xf32, #tpu.memory_space<hbm>> -> memref<100000x64xf32, #tpu.memory_space<hbm>>
    tpu.enqueue_indirect_dma source(%dma_start3A_78 : memref<100000x64xf32, #tpu.memory_space<hbm>>) target(%arg9 : memref<128x64xf32, #tpu.memory_space<vmem>>) offsets(%dma_start3A_75 : memref<128xi32, #tpu.memory_space<vmem>>) semaphore(%arg12 : memref<!tpu.dma_semaphore, #tpu.memory_space<semaphore_mem>>)
    %dma_wait3A_79 = arith.constant 2 : i32
    %dma_wait3A_80 = arith.constant 0 : i32
    %dma_wait3A_81 = tpu.memref_slice %arg7[%dma_wait3A_79, %dma_wait3A_80] : memref<4x128xi32, #tpu.memory_space<vmem>> -> memref<1x128xi32, #tpu.memory_space<vmem>>
    %dma_wait3A_82 = tpu.memref_squeeze %dma_wait3A_81 : memref<1x128xi32, #tpu.memory_space<vmem>> -> memref<128xi32, #tpu.memory_space<vmem>>
    %dma_wait3A_83 = arith.constant 0 : i32
    %dma_wait3A_84 = arith.constant 0 : i32
    %dma_wait3A_85 = tpu.memref_slice %arg2[%dma_wait3A_83, %dma_wait3A_84] : memref<100000x64xf32, #tpu.memory_space<hbm>> -> memref<100000x64xf32, #tpu.memory_space<hbm>>
    tpu.wait_indirect_dma semaphore(%arg11 : memref<!tpu.dma_semaphore, #tpu.memory_space<semaphore_mem>>) src(%dma_wait3A_85 : memref<100000x64xf32, #tpu.memory_space<hbm>>) dst(%arg8 : memref<128x64xf32, #tpu.memory_space<vmem>>)
    %add3A_86 = arith.constant 256 : i32
    %add3A_87 = arith.addi %mul3A_2, %add3A_86 : i32
    "tpu.region"() ({
      %run_scoped3A = tpu.sem_alloc : memref<!tpu.dma_semaphore, #tpu.memory_space<semaphore_mem>>
      %dma_start3A_129 = arith.constant 0 : i32
      %dma_start3A_130 = tpu.memref_slice %arg5[%add3A_87, %dma_start3A_129] : memref<16384x64xf32, #tpu.memory_space<hbm>> -> memref<128x64xf32, #tpu.memory_space<hbm>>
      %dma_start3A_131 = arith.constant 0 : i32
      %dma_start3A_132 = tpu.memref_slice %arg5[%add3A_87, %dma_start3A_131] : memref<16384x64xf32, #tpu.memory_space<hbm>> -> memref<128x64xf32, #tpu.memory_space<hbm>>
      tpu.enqueue_dma source(%arg8 : memref<128x64xf32, #tpu.memory_space<vmem>>) target(%dma_start3A_132 : memref<128x64xf32, #tpu.memory_space<hbm>>) target_semaphore(%run_scoped3A : memref<!tpu.dma_semaphore, #tpu.memory_space<semaphore_mem>>)
      %dma_wait3A_133 = arith.constant 0 : i32
      %dma_wait3A_134 = tpu.memref_slice %arg5[%add3A_87, %dma_wait3A_133] : memref<16384x64xf32, #tpu.memory_space<hbm>> -> memref<128x64xf32, #tpu.memory_space<hbm>>
      %dma_wait3A_135 = arith.constant 0 : i32
      %dma_wait3A_136 = tpu.memref_slice %arg5[%add3A_87, %dma_wait3A_135] : memref<16384x64xf32, #tpu.memory_space<hbm>> -> memref<128x64xf32, #tpu.memory_space<hbm>>
      tpu.wait_dma2 semaphore(%run_scoped3A : memref<!tpu.dma_semaphore, #tpu.memory_space<semaphore_mem>>) src(%arg8 : memref<128x64xf32, #tpu.memory_space<vmem>>) dst(%dma_wait3A_136 : memref<128x64xf32, #tpu.memory_space<hbm>>)
      tpu.yield
    }) : () -> ()
    %dma_wait3A_88 = arith.constant 3 : i32
    %dma_wait3A_89 = arith.constant 0 : i32
    %dma_wait3A_90 = tpu.memref_slice %arg7[%dma_wait3A_88, %dma_wait3A_89] : memref<4x128xi32, #tpu.memory_space<vmem>> -> memref<1x128xi32, #tpu.memory_space<vmem>>
    %dma_wait3A_91 = tpu.memref_squeeze %dma_wait3A_90 : memref<1x128xi32, #tpu.memory_space<vmem>> -> memref<128xi32, #tpu.memory_space<vmem>>
    %dma_wait3A_92 = arith.constant 0 : i32
    %dma_wait3A_93 = arith.constant 0 : i32
    %dma_wait3A_94 = tpu.memref_slice %arg2[%dma_wait3A_92, %dma_wait3A_93] : memref<100000x64xf32, #tpu.memory_space<hbm>> -> memref<100000x64xf32, #tpu.memory_space<hbm>>
    tpu.wait_indirect_dma semaphore(%arg12 : memref<!tpu.dma_semaphore, #tpu.memory_space<semaphore_mem>>) src(%dma_wait3A_94 : memref<100000x64xf32, #tpu.memory_space<hbm>>) dst(%arg9 : memref<128x64xf32, #tpu.memory_space<vmem>>)
    %add3A_95 = arith.constant 384 : i32
    %add3A_96 = arith.addi %mul3A_2, %add3A_95 : i32
    "tpu.region"() ({
      %run_scoped3A = tpu.sem_alloc : memref<!tpu.dma_semaphore, #tpu.memory_space<semaphore_mem>>
      %dma_start3A_129 = arith.constant 0 : i32
      %dma_start3A_130 = tpu.memref_slice %arg5[%add3A_96, %dma_start3A_129] : memref<16384x64xf32, #tpu.memory_space<hbm>> -> memref<128x64xf32, #tpu.memory_space<hbm>>
      %dma_start3A_131 = arith.constant 0 : i32
      %dma_start3A_132 = tpu.memref_slice %arg5[%add3A_96, %dma_start3A_131] : memref<16384x64xf32, #tpu.memory_space<hbm>> -> memref<128x64xf32, #tpu.memory_space<hbm>>
      tpu.enqueue_dma source(%arg9 : memref<128x64xf32, #tpu.memory_space<vmem>>) target(%dma_start3A_132 : memref<128x64xf32, #tpu.memory_space<hbm>>) target_semaphore(%run_scoped3A : memref<!tpu.dma_semaphore, #tpu.memory_space<semaphore_mem>>)
      %dma_wait3A_133 = arith.constant 0 : i32
      %dma_wait3A_134 = tpu.memref_slice %arg5[%add3A_96, %dma_wait3A_133] : memref<16384x64xf32, #tpu.memory_space<hbm>> -> memref<128x64xf32, #tpu.memory_space<hbm>>
      %dma_wait3A_135 = arith.constant 0 : i32
      %dma_wait3A_136 = tpu.memref_slice %arg5[%add3A_96, %dma_wait3A_135] : memref<16384x64xf32, #tpu.memory_space<hbm>> -> memref<128x64xf32, #tpu.memory_space<hbm>>
      tpu.wait_dma2 semaphore(%run_scoped3A : memref<!tpu.dma_semaphore, #tpu.memory_space<semaphore_mem>>) src(%arg9 : memref<128x64xf32, #tpu.memory_space<vmem>>) dst(%dma_wait3A_136 : memref<128x64xf32, #tpu.memory_space<hbm>>)
      tpu.yield
    }) : () -> ()
    %dma_wait3A_97 = arith.constant 0 : i32
    %dma_wait3A_98 = arith.constant 0 : i32
    %dma_wait3A_99 = tpu.memref_slice %arg10[%dma_wait3A_98] : memref<512xf32, #tpu.memory_space<vmem>> -> memref<128xf32, #tpu.memory_space<vmem>>
    %dma_wait3A_100 = arith.constant 0 : i32
    %dma_wait3A_101 = tpu.memref_slice %arg7[%dma_wait3A_97, %dma_wait3A_100] : memref<4x128xi32, #tpu.memory_space<vmem>> -> memref<1x128xi32, #tpu.memory_space<vmem>>
    %dma_wait3A_102 = tpu.memref_squeeze %dma_wait3A_101 : memref<1x128xi32, #tpu.memory_space<vmem>> -> memref<128xi32, #tpu.memory_space<vmem>>
    %dma_wait3A_103 = arith.constant 0 : i32
    %dma_wait3A_104 = tpu.memref_slice %arg3[%dma_wait3A_103] : memref<100000xf32, #tpu.memory_space<hbm>> -> memref<100000xf32, #tpu.memory_space<hbm>>
    tpu.wait_indirect_dma semaphore(%arg13 : memref<!tpu.dma_semaphore, #tpu.memory_space<semaphore_mem>>) src(%dma_wait3A_104 : memref<100000xf32, #tpu.memory_space<hbm>>) dst(%dma_wait3A_99 : memref<128xf32, #tpu.memory_space<vmem>>)
    %dma_wait3A_105 = arith.constant 1 : i32
    %dma_wait3A_106 = arith.constant 128 : i32
    %dma_wait3A_107 = tpu.memref_slice %arg10[%dma_wait3A_106] : memref<512xf32, #tpu.memory_space<vmem>> -> memref<128xf32, #tpu.memory_space<vmem>>
    %dma_wait3A_108 = arith.constant 0 : i32
    %dma_wait3A_109 = tpu.memref_slice %arg7[%dma_wait3A_105, %dma_wait3A_108] : memref<4x128xi32, #tpu.memory_space<vmem>> -> memref<1x128xi32, #tpu.memory_space<vmem>>
    %dma_wait3A_110 = tpu.memref_squeeze %dma_wait3A_109 : memref<1x128xi32, #tpu.memory_space<vmem>> -> memref<128xi32, #tpu.memory_space<vmem>>
    %dma_wait3A_111 = arith.constant 0 : i32
    %dma_wait3A_112 = tpu.memref_slice %arg3[%dma_wait3A_111] : memref<100000xf32, #tpu.memory_space<hbm>> -> memref<100000xf32, #tpu.memory_space<hbm>>
    tpu.wait_indirect_dma semaphore(%arg13 : memref<!tpu.dma_semaphore, #tpu.memory_space<semaphore_mem>>) src(%dma_wait3A_112 : memref<100000xf32, #tpu.memory_space<hbm>>) dst(%dma_wait3A_107 : memref<128xf32, #tpu.memory_space<vmem>>)
    %dma_wait3A_113 = arith.constant 2 : i32
    %dma_wait3A_114 = arith.constant 256 : i32
    %dma_wait3A_115 = tpu.memref_slice %arg10[%dma_wait3A_114] : memref<512xf32, #tpu.memory_space<vmem>> -> memref<128xf32, #tpu.memory_space<vmem>>
    %dma_wait3A_116 = arith.constant 0 : i32
    %dma_wait3A_117 = tpu.memref_slice %arg7[%dma_wait3A_113, %dma_wait3A_116] : memref<4x128xi32, #tpu.memory_space<vmem>> -> memref<1x128xi32, #tpu.memory_space<vmem>>
    %dma_wait3A_118 = tpu.memref_squeeze %dma_wait3A_117 : memref<1x128xi32, #tpu.memory_space<vmem>> -> memref<128xi32, #tpu.memory_space<vmem>>
    %dma_wait3A_119 = arith.constant 0 : i32
    %dma_wait3A_120 = tpu.memref_slice %arg3[%dma_wait3A_119] : memref<100000xf32, #tpu.memory_space<hbm>> -> memref<100000xf32, #tpu.memory_space<hbm>>
    tpu.wait_indirect_dma semaphore(%arg13 : memref<!tpu.dma_semaphore, #tpu.memory_space<semaphore_mem>>) src(%dma_wait3A_120 : memref<100000xf32, #tpu.memory_space<hbm>>) dst(%dma_wait3A_115 : memref<128xf32, #tpu.memory_space<vmem>>)
    %dma_wait3A_121 = arith.constant 3 : i32
    %dma_wait3A_122 = arith.constant 384 : i32
    %dma_wait3A_123 = tpu.memref_slice %arg10[%dma_wait3A_122] : memref<512xf32, #tpu.memory_space<vmem>> -> memref<128xf32, #tpu.memory_space<vmem>>
    %dma_wait3A_124 = arith.constant 0 : i32
    %dma_wait3A_125 = tpu.memref_slice %arg7[%dma_wait3A_121, %dma_wait3A_124] : memref<4x128xi32, #tpu.memory_space<vmem>> -> memref<1x128xi32, #tpu.memory_space<vmem>>
    %dma_wait3A_126 = tpu.memref_squeeze %dma_wait3A_125 : memref<1x128xi32, #tpu.memory_space<vmem>> -> memref<128xi32, #tpu.memory_space<vmem>>
    %dma_wait3A_127 = arith.constant 0 : i32
    %dma_wait3A_128 = tpu.memref_slice %arg3[%dma_wait3A_127] : memref<100000xf32, #tpu.memory_space<hbm>> -> memref<100000xf32, #tpu.memory_space<hbm>>
    tpu.wait_indirect_dma semaphore(%arg13 : memref<!tpu.dma_semaphore, #tpu.memory_space<semaphore_mem>>) src(%dma_wait3A_128 : memref<100000xf32, #tpu.memory_space<hbm>>) dst(%dma_wait3A_123 : memref<128xf32, #tpu.memory_space<vmem>>)
    "tpu.region"() ({
      %run_scoped3A = tpu.sem_alloc : memref<!tpu.dma_semaphore, #tpu.memory_space<semaphore_mem>>
      %dma_start3A_129 = tpu.memref_slice %arg6[%mul3A_2] : memref<16384xf32, #tpu.memory_space<hbm>> -> memref<512xf32, #tpu.memory_space<hbm>>
      %dma_start3A_130 = tpu.memref_slice %arg6[%mul3A_2] : memref<16384xf32, #tpu.memory_space<hbm>> -> memref<512xf32, #tpu.memory_space<hbm>>
      tpu.enqueue_dma source(%arg10 : memref<512xf32, #tpu.memory_space<vmem>>) target(%dma_start3A_130 : memref<512xf32, #tpu.memory_space<hbm>>) target_semaphore(%run_scoped3A : memref<!tpu.dma_semaphore, #tpu.memory_space<semaphore_mem>>)
      %dma_wait3A_131 = tpu.memref_slice %arg6[%mul3A_2] : memref<16384xf32, #tpu.memory_space<hbm>> -> memref<512xf32, #tpu.memory_space<hbm>>
      %dma_wait3A_132 = tpu.memref_slice %arg6[%mul3A_2] : memref<16384xf32, #tpu.memory_space<hbm>> -> memref<512xf32, #tpu.memory_space<hbm>>
      tpu.wait_dma2 semaphore(%run_scoped3A : memref<!tpu.dma_semaphore, #tpu.memory_space<semaphore_mem>>) src(%arg10 : memref<512xf32, #tpu.memory_space<vmem>>) dst(%dma_wait3A_132 : memref<512xf32, #tpu.memory_space<hbm>>)
      tpu.yield
    }) : () -> ()
    return
  }
}

module attributes {stable_mosaic.version = 14 : i64} {
  func.func @_tc_body(%arg0: i32, %arg1: memref<2048x64xf32, #tpu.memory_space<vmem>>, %arg2: memref<2048x64xf32, #tpu.memory_space<vmem>>, %arg3: memref<2048x1xf32, #tpu.memory_space<vmem>>, %arg4: memref<2048x1xf32, #tpu.memory_space<vmem>>, %arg5: memref<64x100xf32, #tpu.memory_space<vmem>>, %arg6: memref<1x100xf32, #tpu.memory_space<vmem>>, %arg7: memref<64x100xf32, #tpu.memory_space<vmem>>, %arg8: memref<1x100xf32, #tpu.memory_space<vmem>>, %arg9: memref<1x100xf32, #tpu.memory_space<vmem>>, %arg10: memref<100x100xf32, #tpu.memory_space<vmem>>, %arg11: memref<1x100xf32, #tpu.memory_space<vmem>>, %arg12: memref<100x100xf32, #tpu.memory_space<vmem>>, %arg13: memref<1x100xf32, #tpu.memory_space<vmem>>, %arg14: memref<100x1xf32, #tpu.memory_space<vmem>>, %arg15: memref<1x1xf32, #tpu.memory_space<vmem>>, %arg16: memref<2048x1xf32, #tpu.memory_space<vmem>>, %arg17: memref<2048x1xf32, #tpu.memory_space<vmem>>) attributes {dimension_semantics = [#tpu.dimension_semantics<arbitrary>], iteration_bounds = array<i64: 8>, scalar_prefetch = 0 : i64, scratch_operands = 0 : i64, tpu.core_type = #tpu.core_type<tc>, window_params = [{transform_indices = @transform_0, window_bounds = array<i64: 2048, 64>}, {transform_indices = @transform_1, window_bounds = array<i64: 2048, 64>}, {transform_indices = @transform_2, window_bounds = array<i64: 2048, 1>}, {transform_indices = @transform_3, window_bounds = array<i64: 2048, 1>}, {pipeline_mode = #tpu.pipeline_mode<synchronous>, transform_indices = @transform_4, window_bounds = array<i64: 64, 100>}, {pipeline_mode = #tpu.pipeline_mode<synchronous>, transform_indices = @transform_5, window_bounds = array<i64: 1, 100>}, {pipeline_mode = #tpu.pipeline_mode<synchronous>, transform_indices = @transform_6, window_bounds = array<i64: 64, 100>}, {pipeline_mode = #tpu.pipeline_mode<synchronous>, transform_indices = @transform_7, window_bounds = array<i64: 1, 100>}, {pipeline_mode = #tpu.pipeline_mode<synchronous>, transform_indices = @transform_8, window_bounds = array<i64: 1, 100>}, {pipeline_mode = #tpu.pipeline_mode<synchronous>, transform_indices = @transform_9, window_bounds = array<i64: 100, 100>}, {pipeline_mode = #tpu.pipeline_mode<synchronous>, transform_indices = @transform_10, window_bounds = array<i64: 1, 100>}, {pipeline_mode = #tpu.pipeline_mode<synchronous>, transform_indices = @transform_11, window_bounds = array<i64: 100, 100>}, {pipeline_mode = #tpu.pipeline_mode<synchronous>, transform_indices = @transform_12, window_bounds = array<i64: 1, 100>}, {pipeline_mode = #tpu.pipeline_mode<synchronous>, transform_indices = @transform_13, window_bounds = array<i64: 100, 1>}, {pipeline_mode = #tpu.pipeline_mode<synchronous>, transform_indices = @transform_14, window_bounds = array<i64: 1, 1>}, {transform_indices = @transform_15, window_bounds = array<i64: 2048, 1>}, {transform_indices = @transform_16, window_bounds = array<i64: 2048, 1>}]} {
    %get3A = arith.constant 0 : index
    %get3A_0 = arith.constant 0 : index
    %get3A_1 = vector.load %arg1[%get3A, %get3A_0] : memref<2048x64xf32, #tpu.memory_space<vmem>>, vector<2048x64xf32>
    %get3A_2 = arith.constant 0 : index
    %get3A_3 = arith.constant 0 : index
    %get3A_4 = vector.load %arg2[%get3A_2, %get3A_3] : memref<2048x64xf32, #tpu.memory_space<vmem>>, vector<2048x64xf32>
    %get3A_5 = arith.constant 0 : index
    %get3A_6 = arith.constant 0 : index
    %get3A_7 = vector.load %arg3[%get3A_5, %get3A_6] : memref<2048x1xf32, #tpu.memory_space<vmem>>, vector<2048x1xf32>
    %get3A_8 = arith.constant 0 : index
    %get3A_9 = arith.constant 0 : index
    %get3A_10 = vector.load %arg4[%get3A_8, %get3A_9] : memref<2048x1xf32, #tpu.memory_space<vmem>>, vector<2048x1xf32>
    %mul3A = arith.mulf %get3A_1, %get3A_4 : vector<2048x64xf32>
    %reduce_sum3A = arith.constant dense<0.000000e+00> : vector<2048xf32>
    %reduce_sum3A_11 = vector.multi_reduction <add>, %mul3A, %reduce_sum3A [1] : vector<2048x64xf32> to vector<2048xf32>
    %broadcast_in_dim3A = vector.shape_cast %reduce_sum3A_11 : vector<2048xf32> to vector<2048x1xf32>
    %add3A = arith.addf %broadcast_in_dim3A, %get3A_7 : vector<2048x1xf32>
    %add3A_12 = arith.addf %add3A, %get3A_10 : vector<2048x1xf32>
    %get3A_13 = arith.constant 0 : index
    %get3A_14 = arith.constant 0 : index
    %get3A_15 = vector.load %arg5[%get3A_13, %get3A_14] : memref<64x100xf32, #tpu.memory_space<vmem>>, vector<64x100xf32>
    %dot_general3A = arith.constant dense<0.000000e+00> : vector<2048x100xf32>
    %dot_general3A_16 = tpu.matmul %get3A_1, %get3A_15, %dot_general3A {dimension_numbers = #tpu.dot_dimension_numbers<[1], [0], [0], [1], [0, 0, 1, 1], [], []>, transpose_lhs_hint = false} : vector<2048x64xf32>, vector<64x100xf32>, vector<2048x100xf32> -> vector<2048x100xf32>
    %get3A_17 = arith.constant 0 : index
    %get3A_18 = arith.constant 0 : index
    %get3A_19 = vector.load %arg7[%get3A_17, %get3A_18] : memref<64x100xf32, #tpu.memory_space<vmem>>, vector<64x100xf32>
    %dot_general3A_20 = arith.constant dense<0.000000e+00> : vector<2048x100xf32>
    %dot_general3A_21 = tpu.matmul %get3A_4, %get3A_19, %dot_general3A_20 {dimension_numbers = #tpu.dot_dimension_numbers<[1], [0], [0], [1], [0, 0, 1, 1], [], []>, transpose_lhs_hint = false} : vector<2048x64xf32>, vector<64x100xf32>, vector<2048x100xf32> -> vector<2048x100xf32>
    %add3A_22 = arith.addf %dot_general3A_16, %dot_general3A_21 : vector<2048x100xf32>
    %get3A_23 = arith.constant 0 : index
    %get3A_24 = arith.constant 0 : index
    %get3A_25 = vector.load %arg6[%get3A_23, %get3A_24] : memref<1x100xf32, #tpu.memory_space<vmem>>, vector<1x100xf32>
    %mul3A_26 = vector.broadcast %get3A_7 : vector<2048x1xf32> to vector<2048x100xf32>
    %mul3A_27 = vector.broadcast %get3A_25 : vector<1x100xf32> to vector<2048x100xf32>
    %mul3A_28 = arith.mulf %mul3A_26, %mul3A_27 : vector<2048x100xf32>
    %add3A_29 = arith.addf %add3A_22, %mul3A_28 : vector<2048x100xf32>
    %get3A_30 = arith.constant 0 : index
    %get3A_31 = arith.constant 0 : index
    %get3A_32 = vector.load %arg8[%get3A_30, %get3A_31] : memref<1x100xf32, #tpu.memory_space<vmem>>, vector<1x100xf32>
    %mul3A_33 = vector.broadcast %get3A_10 : vector<2048x1xf32> to vector<2048x100xf32>
    %mul3A_34 = vector.broadcast %get3A_32 : vector<1x100xf32> to vector<2048x100xf32>
    %mul3A_35 = arith.mulf %mul3A_33, %mul3A_34 : vector<2048x100xf32>
    %add3A_36 = arith.addf %add3A_29, %mul3A_35 : vector<2048x100xf32>
    %get3A_37 = arith.constant 0 : index
    %get3A_38 = arith.constant 0 : index
    %get3A_39 = vector.load %arg9[%get3A_37, %get3A_38] : memref<1x100xf32, #tpu.memory_space<vmem>>, vector<1x100xf32>
    %add3A_40 = vector.broadcast %get3A_39 : vector<1x100xf32> to vector<2048x100xf32>
    %add3A_41 = arith.addf %add3A_36, %add3A_40 : vector<2048x100xf32>
    %max3A = arith.constant 0.000000e+00 : f32
    %max3A_42 = vector.broadcast %max3A : f32 to vector<2048x100xf32>
    %max3A_43 = arith.maximumf %add3A_41, %max3A_42 : vector<2048x100xf32>
    %get3A_44 = arith.constant 0 : index
    %get3A_45 = arith.constant 0 : index
    %get3A_46 = vector.load %arg10[%get3A_44, %get3A_45] : memref<100x100xf32, #tpu.memory_space<vmem>>, vector<100x100xf32>
    %dot_general3A_47 = arith.constant dense<0.000000e+00> : vector<2048x100xf32>
    %dot_general3A_48 = tpu.matmul %max3A_43, %get3A_46, %dot_general3A_47 {dimension_numbers = #tpu.dot_dimension_numbers<[1], [0], [0], [1], [0, 0, 1, 1], [], []>, transpose_lhs_hint = false} : vector<2048x100xf32>, vector<100x100xf32>, vector<2048x100xf32> -> vector<2048x100xf32>
    %get3A_49 = arith.constant 0 : index
    %get3A_50 = arith.constant 0 : index
    %get3A_51 = vector.load %arg11[%get3A_49, %get3A_50] : memref<1x100xf32, #tpu.memory_space<vmem>>, vector<1x100xf32>
    %add3A_52 = vector.broadcast %get3A_51 : vector<1x100xf32> to vector<2048x100xf32>
    %add3A_53 = arith.addf %dot_general3A_48, %add3A_52 : vector<2048x100xf32>
    %max3A_54 = arith.constant 0.000000e+00 : f32
    %max3A_55 = vector.broadcast %max3A_54 : f32 to vector<2048x100xf32>
    %max3A_56 = arith.maximumf %add3A_53, %max3A_55 : vector<2048x100xf32>
    %get3A_57 = arith.constant 0 : index
    %get3A_58 = arith.constant 0 : index
    %get3A_59 = vector.load %arg12[%get3A_57, %get3A_58] : memref<100x100xf32, #tpu.memory_space<vmem>>, vector<100x100xf32>
    %dot_general3A_60 = arith.constant dense<0.000000e+00> : vector<2048x100xf32>
    %dot_general3A_61 = tpu.matmul %max3A_56, %get3A_59, %dot_general3A_60 {dimension_numbers = #tpu.dot_dimension_numbers<[1], [0], [0], [1], [0, 0, 1, 1], [], []>, transpose_lhs_hint = false} : vector<2048x100xf32>, vector<100x100xf32>, vector<2048x100xf32> -> vector<2048x100xf32>
    %get3A_62 = arith.constant 0 : index
    %get3A_63 = arith.constant 0 : index
    %get3A_64 = vector.load %arg13[%get3A_62, %get3A_63] : memref<1x100xf32, #tpu.memory_space<vmem>>, vector<1x100xf32>
    %add3A_65 = vector.broadcast %get3A_64 : vector<1x100xf32> to vector<2048x100xf32>
    %add3A_66 = arith.addf %dot_general3A_61, %add3A_65 : vector<2048x100xf32>
    %add3A_67 = vector.broadcast %add3A_12 : vector<2048x1xf32> to vector<2048x100xf32>
    %add3A_68 = arith.addf %add3A_66, %add3A_67 : vector<2048x100xf32>
    %get3A_69 = arith.constant 0 : index
    %get3A_70 = arith.constant 0 : index
    %get3A_71 = vector.load %arg14[%get3A_69, %get3A_70] : memref<100x1xf32, #tpu.memory_space<vmem>>, vector<100x1xf32>
    %dot_general3A_72 = arith.constant dense<0.000000e+00> : vector<2048x1xf32>
    %dot_general3A_73 = tpu.matmul %add3A_68, %get3A_71, %dot_general3A_72 {dimension_numbers = #tpu.dot_dimension_numbers<[1], [0], [0], [1], [0, 0, 1, 1], [], []>, transpose_lhs_hint = false} : vector<2048x100xf32>, vector<100x1xf32>, vector<2048x1xf32> -> vector<2048x1xf32>
    %get3A_74 = arith.constant 0 : index
    %get3A_75 = arith.constant 0 : index
    %get3A_76 = vector.load %arg15[%get3A_74, %get3A_75] : memref<1x1xf32, #tpu.memory_space<vmem>>, vector<1x1xf32>
    %add3A_77 = vector.broadcast %get3A_76 : vector<1x1xf32> to vector<2048x1xf32>
    %add3A_78 = arith.addf %dot_general3A_73, %add3A_77 : vector<2048x1xf32>
    %swap3A = arith.constant 0 : index
    %swap3A_79 = arith.constant 0 : index
    %swap3A_80 = vector.load %arg16[%swap3A, %swap3A_79] : memref<2048x1xf32, #tpu.memory_space<vmem>>, vector<2048x1xf32>
    tpu.vector_store %arg16[%swap3A, %swap3A_79], %add3A_12 {strides = array<i32>} : memref<2048x1xf32, #tpu.memory_space<vmem>>, vector<2048x1xf32>,
    %swap3A_81 = arith.constant 0 : index
    %swap3A_82 = arith.constant 0 : index
    %swap3A_83 = vector.load %arg17[%swap3A_81, %swap3A_82] : memref<2048x1xf32, #tpu.memory_space<vmem>>, vector<2048x1xf32>
    tpu.vector_store %arg17[%swap3A_81, %swap3A_82], %add3A_78 {strides = array<i32>} : memref<2048x1xf32, #tpu.memory_space<vmem>>, vector<2048x1xf32>,
    return
  }
  func.func @transform_0(%arg0: i32) -> (i32, i32) {
    %c0_i32 = arith.constant 0 : i32
    %c0_i32_0 = arith.constant 0 : i32
    return %arg0, %c0_i32 : i32, i32
  }
  func.func @transform_1(%arg0: i32) -> (i32, i32) {
    %c0_i32 = arith.constant 0 : i32
    %c0_i32_0 = arith.constant 0 : i32
    return %arg0, %c0_i32 : i32, i32
  }
  func.func @transform_2(%arg0: i32) -> (i32, i32) {
    %c0_i32 = arith.constant 0 : i32
    %c0_i32_0 = arith.constant 0 : i32
    return %arg0, %c0_i32 : i32, i32
  }
  func.func @transform_3(%arg0: i32) -> (i32, i32) {
    %c0_i32 = arith.constant 0 : i32
    %c0_i32_0 = arith.constant 0 : i32
    return %arg0, %c0_i32 : i32, i32
  }
  func.func @transform_4(%arg0: i32) -> (i32, i32) {
    %c0_i32 = arith.constant 0 : i32
    %c0_i32_0 = arith.constant 0 : i32
    %c0_i32_1 = arith.constant 0 : i32
    return %c0_i32, %c0_i32_0 : i32, i32
  }
  func.func @transform_5(%arg0: i32) -> (i32, i32) {
    %c0_i32 = arith.constant 0 : i32
    %c0_i32_0 = arith.constant 0 : i32
    %c0_i32_1 = arith.constant 0 : i32
    return %c0_i32, %c0_i32_0 : i32, i32
  }
  func.func @transform_6(%arg0: i32) -> (i32, i32) {
    %c0_i32 = arith.constant 0 : i32
    %c0_i32_0 = arith.constant 0 : i32
    %c0_i32_1 = arith.constant 0 : i32
    return %c0_i32, %c0_i32_0 : i32, i32
  }
  func.func @transform_7(%arg0: i32) -> (i32, i32) {
    %c0_i32 = arith.constant 0 : i32
    %c0_i32_0 = arith.constant 0 : i32
    %c0_i32_1 = arith.constant 0 : i32
    return %c0_i32, %c0_i32_0 : i32, i32
  }
  func.func @transform_8(%arg0: i32) -> (i32, i32) {
    %c0_i32 = arith.constant 0 : i32
    %c0_i32_0 = arith.constant 0 : i32
    %c0_i32_1 = arith.constant 0 : i32
    return %c0_i32, %c0_i32_0 : i32, i32
  }
  func.func @transform_9(%arg0: i32) -> (i32, i32) {
    %c0_i32 = arith.constant 0 : i32
    %c0_i32_0 = arith.constant 0 : i32
    %c0_i32_1 = arith.constant 0 : i32
    return %c0_i32, %c0_i32_0 : i32, i32
  }
  func.func @transform_10(%arg0: i32) -> (i32, i32) {
    %c0_i32 = arith.constant 0 : i32
    %c0_i32_0 = arith.constant 0 : i32
    %c0_i32_1 = arith.constant 0 : i32
    return %c0_i32, %c0_i32_0 : i32, i32
  }
  func.func @transform_11(%arg0: i32) -> (i32, i32) {
    %c0_i32 = arith.constant 0 : i32
    %c0_i32_0 = arith.constant 0 : i32
    %c0_i32_1 = arith.constant 0 : i32
    return %c0_i32, %c0_i32_0 : i32, i32
  }
  func.func @transform_12(%arg0: i32) -> (i32, i32) {
    %c0_i32 = arith.constant 0 : i32
    %c0_i32_0 = arith.constant 0 : i32
    %c0_i32_1 = arith.constant 0 : i32
    return %c0_i32, %c0_i32_0 : i32, i32
  }
  func.func @transform_13(%arg0: i32) -> (i32, i32) {
    %c0_i32 = arith.constant 0 : i32
    %c0_i32_0 = arith.constant 0 : i32
    %c0_i32_1 = arith.constant 0 : i32
    return %c0_i32, %c0_i32_0 : i32, i32
  }
  func.func @transform_14(%arg0: i32) -> (i32, i32) {
    %c0_i32 = arith.constant 0 : i32
    %c0_i32_0 = arith.constant 0 : i32
    %c0_i32_1 = arith.constant 0 : i32
    return %c0_i32, %c0_i32_0 : i32, i32
  }
  func.func @transform_15(%arg0: i32) -> (i32, i32) {
    %c0_i32 = arith.constant 0 : i32
    %c0_i32_0 = arith.constant 0 : i32
    return %arg0, %c0_i32 : i32, i32
  }
  func.func @transform_16(%arg0: i32) -> (i32, i32) {
    %c0_i32 = arith.constant 0 : i32
    %c0_i32_0 = arith.constant 0 : i32
    return %arg0, %c0_i32 : i32, i32
  }
}

</mosaic_0001>

<sc_bundles>
// kernel: kernel.5.cloned.1.call-start
scs
__scs_entry_jumppad:
0x0: {  	(pc) =	sbr.rel $0x88, $3  }
0x1: {  	(tag) =	ssettag $0x0;
	lr =	simm.s32 $0x1  }
0x2: {  	[smem:$0x3F93] =	sst lr;
	_ =	strace $0xD0000000  }
0x3: {  	_ = 	snop  }
0x4: {  	_ = 	snop  }
0x5: {  	_ = 	snop  }
0x6: {  	_ = 	snop  }
0x7: {  	_ = 	snop  }
__scs_overlays_trampoline_lowered:
0x8: {  	[smem:$0x3FA2] =	sst s0  }
0x9: {  	[smem:$0x3FA3] =	sst s1  }
0xa: {  	[smem:$0x3FA4] =	sst s2  }
0xb: {  	[smem:$0x3FA5] =	sst s3  }
0xc: {  	[smem:$0x3FA6] =	sst s4  }
0xd: {  	[smem:$0x3FA7] =	sst s5  }
0xe: {  	[smem:$0x3FA8] =	sst s6  }
0xf: {  	[smem:$0x3FA9] =	sst s7  }
0x10: {  	[smem:$0x3FAA] =	sst s8  }
0x11: {  	[smem:$0x3FAB] =	sst s9;
	s0 =	simm.s32 @!p0 $0x0  }
0x12: {  	s1 =	sld [smem:$0x3F91];
	s0 =	simm.s32 @p0 $0x1  }
0x13: {  	[smem:$0x3FAC] =	sst s0;
	s0 =	simm.s32 @!p1 $0x0  }
0x14: {  	s2 =	sld [smem:$0x3F90];
	s0 =	simm.s32 @p1 $0x1  }
0x15: {  	[smem:$0x3FAD] =	sst s0;
	s0 =	simm.s32 @!p2 $0x0  }
0x16: {  	s3 =	sld [smem:$0x3FDB];
	s0 =	simm.s32 @p2 $0x1  }
0x17: {  	s4 =	simm.s32 $0x1BF5;
	[smem:$0x3FAF] =	sst s0  }
0x18: {  	s0 =	sld [smem:$0x3F92];
	_ =	swait.ge [sflag:s4], $0x0  }
0x19: {  	s7 =	sld [smem:$0x3F93]  }
0x1a: {  	s8 =	sadd.s32 $0xFFFFE003, lr  }
0x1b: {  	s9 =	sadd.s32 $0xFFFFFEF7, lr;
	s5 =	simm.s32 $0xFFFFFFFF;
	p2 =	slt.u32 s8, $0xFFFFF086  }
0x1c: {  	p1 =	slt.u32 s9, $0xF7A;
	s5 =	simm.s32 @!p2 $0x0  }
0x1d: {  	s5 =	simm.s32 @p1 $0x1;
	p0 =	seq.s32 s7, s2  }
0x1e: {  	s7 =	smul.u32 @!p0 $0xF7A, s2;
	p2 =	seq.s32 @!p0 s5, $0x0  }
0x1f: {  	s9 =	smul.u32 $0xF7A, s1;
	s8 =	simm.s32 @!p0 $0x1BF5;
	p2 =	por !p2, p0  }
0x20: {  	[sflag:s8] =	ssyncset.s32 @!p0 $0xFFFFF086;
	s6 =	sadd.s32 @!p0 s3, s7;
	s7 =	simm.s32 @!p0 $0x108  }
0x21: {  	s3 =	sadd.s32 s3, s9;
	s6 =	sadd.s32 @!p0 $0x88, s6;
	s7 =	simm.s32 @p2 $0x1082  }
0x22: {  	[simem:s7], [sflag:s8] =	dma.local @!p0 [hbm:s6], $0xF7A  }
0x23: {  	s9 =	sor.u32 $0xD0000000, s2;
	s6 =	simm.s32 $0x108;
	_ =	swait.ge @!p0 [sflag:s8], $0x0  }
0x24: {  	s3 =	sadd.s32 $0x88, s3;
	s6 =	simm.s32 @!p1 $0x1082;
	[sflag:s4] =	ssyncset.s32 $0xFFFFF086  }
0x25: {  	[simem:s6], [sflag:s4] =	dma.local [hbm:s3], $0xF7A  }
0x26: {  	[smem:$0x3F93] =	sst s1;
	(tag) =	ssettag s2;
	_ =	strace s9  }
0x27: {  	s1 =	sld [smem:$0x3FA3]  }
0x28: {  	s2 =	sld [smem:$0x3FA4]  }
0x29: {  	s4 =	sld [smem:$0x3FA6]  }
0x2a: {  	p0 =	seq.s32 s5, $0x0;
	s5 =	sld [smem:$0x3FA7]  }
0x2b: {  	s6 =	sld [smem:$0x3FA8]  }
0x2c: {  	s7 =	sld [smem:$0x3FA9]  }
0x2d: {  	s3 =	simm.s32 $0x108;
	s8 =	sld [smem:$0x3FAA]  }
0x2e: {  	s3 =	simm.s32 @!p0 $0x1082;
	s9 =	sld [smem:$0x3FAB]  }
0x2f: {  	lr =	sadd.s32 s0, s3;
	s0 =	sld [smem:$0x3FA2]  }
0x30: {  	s3 =	sld [smem:$0x3FA5]  }
0x31: {  	[smem:$0x3FAE] =	sst s10  }
0x32: {  	s10 =	sld [smem:$0x3FAC];
	_ =	sdelay $0x3  }
0x33: {  	p0 =	seq.s32 s10, $0x1;
	s10 =	sld [smem:$0x3FAE];
	_ =	sdelay $0x3  }
0x34: {  	[smem:$0x3FAE] =	sst s10  }
0x35: {  	s10 =	sld [smem:$0x3FAD];
	_ =	sdelay $0x3  }
0x36: {  	p1 =	seq.s32 s10, $0x1;
	s10 =	sld [smem:$0x3FAE];
	_ =	sdelay $0x3  }
0x37: {  	[smem:$0x3FAE] =	sst s10  }
0x38: {  	s10 =	sld [smem:$0x3FAF]  }
0x39: {  	_ = 	snop;
	(pc) =	sbr.ind lr, $3  }
0x3a: {  	_ = 	snop  }
0x3b: {  	_ = 	snop  }
0x3c: {  	p2 =	seq.s32 s10, $0x1;
	s10 =	sld [smem:$0x3FAE]  }
0x3d: {  	_ =	shalt  }
0x3e: {  	_ =	shalt  }
0x3f: {  	_ =	shalt  }
0x40: {  	_ =	shalt  }
0x41: {  	_ =	shalt  }
0x42: {  	_ =	shalt  }
0x43: {  	_ =	shalt  }
0x44: {  	_ =	shalt  }
0x45: {  	_ =	shalt  }
0x46: {  	_ =	shalt  }
0x47: {  	_ =	shalt  }
0x48: {  	_ =	shalt  }
0x49: {  	_ =	shalt  }
0x4a: {  	_ =	shalt  }
0x4b: {  	_ =	shalt  }
0x4c: {  	_ =	shalt  }
0x4d: {  	_ =	shalt  }
0x4e: {  	_ =	shalt  }
0x4f: {  	_ =	shalt  }
0x50: {  	_ =	shalt  }
0x51: {  	_ =	shalt  }
0x52: {  	_ =	shalt  }
0x53: {  	_ =	shalt  }
0x54: {  	_ =	shalt  }
0x55: {  	_ =	shalt  }
0x56: {  	_ =	shalt  }
0x57: {  	_ =	shalt  }
0x58: {  	_ =	shalt  }
0x59: {  	_ =	shalt  }
0x5a: {  	_ =	shalt  }
0x5b: {  	_ =	shalt  }
0x5c: {  	_ =	shalt  }
0x5d: {  	_ =	shalt  }
0x5e: {  	_ =	shalt  }
0x5f: {  	_ =	shalt  }
0x60: {  	_ =	shalt  }
0x61: {  	_ =	shalt  }
0x62: {  	_ =	shalt  }
0x63: {  	_ =	shalt  }
0x64: {  	_ =	shalt  }
0x65: {  	_ =	shalt  }
0x66: {  	_ =	shalt  }
0x67: {  	_ =	shalt  }
0x68: {  	_ =	shalt  }
0x69: {  	_ =	shalt  }
0x6a: {  	_ =	shalt  }
0x6b: {  	_ =	shalt  }
0x6c: {  	_ =	shalt  }
0x6d: {  	_ =	shalt  }
0x6e: {  	_ =	shalt  }
0x6f: {  	_ =	shalt  }
0x70: {  	_ =	shalt  }
0x71: {  	_ =	shalt  }
0x72: {  	_ =	shalt  }
0x73: {  	_ =	shalt  }
0x74: {  	_ =	shalt  }
0x75: {  	_ =	shalt  }
0x76: {  	_ =	shalt  }
0x77: {  	_ =	shalt  }
0x78: {  	_ =	shalt  }
0x79: {  	_ =	shalt  }
0x7a: {  	_ =	shalt  }
0x7b: {  	_ =	shalt  }
0x7c: {  	_ =	shalt  }
0x7d: {  	_ =	shalt  }
0x7e: {  	_ =	shalt  }
0x7f: {  	_ =	shalt  }
0x80: {  	_ =	shalt  }
0x81: {  	_ =	shalt  }
0x82: {  	_ =	shalt  }
0x83: {  	_ =	shalt  }
0x84: {  	_ =	shalt  }
0x85: {  	_ =	shalt  }
0x86: {  	_ =	shalt  }
0x87: {  	_ =	shalt  }
.Lfunc_end0:
.L_simem_size_0:
called_computation_lowered:
.L_overlay_start_0:
0x88: {  	s2 =	sld [smem:$0x3FD9]  }
0x89: {  	s3 =	sld [smem:$0x3FFE];
	_ =	sdelay $0x1  }
0x8a: {  	s1 =	srdreg.scid  }
0x8b: {  	s0 =	sand.u32 $0x1, s1  }
0x8c: {  	s14 =	sshll.u32 s0, $0xA;
	s2 =	sadd.s32 s3, s2  }
0x8d: {  	s2 =	sadd.s32 s2, s14  }
0x8e: {  	[smem:$0x3FBA] =	sst s2  }
0x8f: {  	_ = 	snop  }
0x90: {  	s2 =	sld [smem:$0x3FD0];
	_ =	sdelay $0x2  }
0x91: {  	s4 =	simm.s32 $0xB;
	s5 =	simm.s32 $0x10;
	s15 =	sld [smem:$0x3FC8]  }
0x92: {  	[smem:s5], [sflag:s4] =	dma.local [hbm:s2], $0x1  }
0x93: {  	_ =	swait.eq [sflag:s4], $0x1  }
0x94: {  	[sflag:s4] =	ssyncset.done $0x0  }
0x95: {  	[sflag:s4] =	ssyncadd.s32 $0xFFFFFFFF  }
0x96: {  	s16 =	sld [smem:$0x10];
	(tm) =	ssettm $0x1  }
0x97: {  	s17 =	sld [smem:$0x3FFB];
	_ =	sdelay $0x3  }
0x98: {  	_ =	strace s17  }
0x99: {  	s4 =	sld [smem:$0x3FFC];
	_ =	sdelay $0x3  }
0x9a: {  	_ =	strace s4  }
0x9b: {  	s4 =	sld [smem:$0x3FFD];
	_ =	sdelay $0x3  }
0x9c: {  	_ =	strace s4  }
0x9d: {  	_ =	strace $0x8FFFFFFF  }
0x9e: {  	s18 =	sld [smem:$0x3FDB];
	_ =	sdelay $0x1  }
0x9f: {  	s19 =	simm.s32 $_scs_section_size  }
0xa0: {  	s6 =	simm.s32 $_size__tile_overlayer_lowered;
	s7 =	simm.s32 $_tile_overlayer_lowered  }
0xa1: {  	s22 =	simm.s32 $0x1BFF;
	s21 =	sshll.u32 s7, $0x1;
	s4 =	sadd.s32 s19, s18  }
0xa2: {  	s8 =	simm.s32 $0x0;
	s20 =	sshll.u32 s6, $0x1;
	s6 =	sadd.s32 s21, s4  }
0xa3: {  	[timem:s8], [sflag:s22] =	dma.local [hbm:s6], s20  }
0xa4: {  	_ =	swait.ge [sflag:s22], s20  }
0xa5: {  	s5 =	ssub.s32 $0x0, s20;
	[sflag:s22] =	ssyncset.done $0x0  }
0xa6: {  	[sflag:s22] =	ssyncadd.s32 s5;
	_ =	sdelay $0x1  }
0xa7: {  	s23 =	simm.s32 $0x1B8B  }
0xa8: {  	_ =	swait.ge [sflag:s23], $0x1  }
0xa9: {  	[sflag:s23] =	ssyncset.done $0x0  }
0xaa: {  	s25 =	simm.s32 $0x1B8E;
	s24 =	sld [smem:$0x3FFE];
	[sflag:s23] =	ssyncadd.s32 $0xFFFFFFFF  }
0xab: {  	s26 =	simm.s32 $execute0_lowered;
	[smem:$0x3FD2] =	sst s25  }
0xac: {  	s6 =	sshll.u32 s26, $0x1;
	_ =	strace $0x80000046;
	[dreg:$0x1] =	wrdreg $0xFFFFFFFF  }
0xad: {  	s28 =	simm.s32 $_size_execute0_lowered;
	s4 =	sadd.s32 s4, s6;
	[dreg:$0x0] =	wrdreg $0x0  }
0xae: {  	s6 =	sshll.u32 s28, $0x1;
	[dreg:$0x2] =	wrdreg s4  }
0xaf: {  	[dreg:$0x3] =	wrdreg s6  }
0xb0: {  	[dreg:$0x4] =	wrdreg $0xC0  }
0xb1: {  	_ =	task [dreg:s8], $0x5FFFF  }
0xb2: {  	[dreg:$0x1] =	wrdreg $0xFFFFFFFF  }
0xb3: {  	[dreg:$0x0] =	wrdreg $0x60  }
0xb4: {  	[dreg:$0x2] =	wrdreg s24  }
0xb5: {  	[dreg:$0x3] =	wrdreg s15  }
0xb6: {  	[dreg:$0x4] =	wrdreg s16  }
0xb7: {  	[dreg:$0x5] =	wrdreg $0x9  }
0xb8: {  	_ =	task.clear_ibuf [dreg:s8], $0x6FFFF;
	_ =	strace $0x90000046  }
0xb9: {  	s29 =	simm.s32 $0x9;
	_ =	strace $0x80000048  }
0xba: {  	_ =	swait.ge [sflag:s29], $0x1  }
0xbb: {  	[sflag:s29] =	ssyncadd.s32 $0xFFFFFFFF  }
0xbc: {  	_ =	strace $0x90000048  }
0xbd: {  	_ =	sfence  }
0xbe: {  	s30 =	sld [smem:$0x0];
	_ =	sdelay $0x2  }
0xbf: {  	s31 =	sshll.u32 s1, $0xD;
	s1 =	sshrl.u32 s1, $0x2  }
0xc0: {  	s3 =	sand.u32 $0x4000, s31;
	s1 =	sadd.s32 s1, s30  }
0xc1: {  	s0 =	sor.u32 s3, s0;
	s1 =	sshll.u32 s1, $0x11  }
0xc2: {  	s0 =	sor.u32 s1, s0  }
0xc3: {  	s0 =	sadd.s32 $0x8F2B, s0  }
0xc4: {  	[sflag:s0] =	ssyncadd.remote.s32 $0x1  }
0xc5: {  	_ =	sfence.sel $0xFFFF  }
0xc6: {  	[dreg:$0x0] =	wrdreg $0xFFFFFFFF;
	(pc) =	sbr.abs _section_cstart, $3  }
0xc7: {  	[dreg:$0x1] =	wrdreg $0xFFFFFFFF  }
0xc8: {  	_ =	task.clear_ibuf [dreg:s8], $0x2FFFF;
	_ =	strace $0x9FFFFFFF  }
0xc9: {  	(tm) =	ssettm $0x7FFFFFFF  }
tec
execute0_lowered:
.L_overlay_start_1:
0x0: {  	(tag) =	ssettag $0x1  }
0x1: {  	s17 =	rddreg [dreg:$0x0];
	s1 =	srdreg.scid  }
0x2: {  	s3 =	rddreg [dreg:$0x1];
	s0 =	stileid.u32;
	s24 =	sand.u32 $0x1, s1  }
0x3: {  	s23 =	rddreg [dreg:$0x2];
	s4 =	sshll.u32 s0, $0xA;
	s5 =	sshll.u32 s24, $0x9  }
0x4: {  	s2 =	simm.s32 $0x0;
	s1 =	rddreg [dreg:$0x3];
	s18 =	sor.u32 s5, s4  }
0x5: {  	[smem:$0x7FF] =	sst s2;
	s25 =	sshrl.u32 s18, $0x3  }
0x6: {  	_ =	strace $0x80000047;
	s4 =	sadd.s32 s3, s25;
	s3 =	simm.s32 $0x4  }
0x7: {  	[tilespmem:s2], [sflag:$0x4] =	stream.linear.gather [hbm4b:s4+s2], $0x200, $0x38;
	[tilespmem:$0x4400] =	vst v63  }
0x8: {  	_ =	swait.ge [sflag:s3], $0x200  }
0x9: {  	s6 =	simm.s32 $0x80;
	[sflag:s3] =	ssyncset.done $0x0  }
0xa: {  	s7 =	simm.s32 $0x4200;
	s5 =	sadd.s32 $0x3E00, s17;
	[sflag:s3] =	ssyncadd.s32 $0xFFFFFE00  }
0xb: {  	[tilespmem:s7], [sflag:$0x3] =	stream.indirect.gather [hbm4b:s5+s6], $0x1, s2, s6, $0xb8;
	[tilespmem:$0x4400] =	vst v63  }
0xc: {  	s8 =	simm.s32 $0x4280  }
0xd: {  	[tilespmem:s8], [sflag:$0x3] =	stream.indirect.gather [hbm4b:s5+s6], $0x1, s6, s6, $0xb8;
	[tilespmem:$0x4400] =	vst v63  }
0xe: {  	s9 =	simm.s32 $0x100;
	s10 =	simm.s32 $0x4300  }
0xf: {  	[tilespmem:s10], [sflag:$0x3] =	stream.indirect.gather [hbm4b:s5+s6], $0x1, s9, s6, $0xb8;
	[tilespmem:$0x4400] =	vst v63  }
0x10: {  	s11 =	simm.s32 $0x180;
	s12 =	simm.s32 $0x4380  }
0x11: {  	[tilespmem:s12], [sflag:$0x3] =	stream.indirect.gather [hbm4b:s5+s6], $0x1, s11, s6, $0xb8;
	[tilespmem:$0x4400] =	vst v63  }
0x12: {  	s14 =	simm.s32 $0x200;
	s13 =	sadd.s32 $0x18A800, s17  }
0x13: {  	[tilespmem:s14], [sflag:$0x1] =	stream.indirect.gather [hbm4b:s13+s6], $0x40, s2, s6, $0xb8;
	[tilespmem:$0x4400] =	vst v63  }
0x14: {  	s15 =	simm.s32 $0x2200;
	s16 =	simm.s32 $0x1  }
0x15: {  	[tilespmem:s15], [sflag:$0x2] =	stream.indirect.gather [hbm4b:s13+s6], $0x40, s6, s6, $0xb8;
	[tilespmem:$0x4400] =	vst v63  }
0x16: {  	s18 =	sshll.u32 s18, $0x3;
	_ =	swait.ge [sflag:s16], $0x2000  }
0x17: {  	s21 =	sadd.s32 s18, s17;
	[sflag:s16] =	ssyncset.done $0x0  }
0x18: {  	s17 =	sadd.s32 $0x7000, s21;
	[sflag:s16] =	ssyncadd.s32 $0xFFFFE000  }
0x19: {  	[hbm4b:s17+s2] =	stream.linear.scatter [tilespmem:s14], [sflag:$0x4], $0x2000, $0x38;
	[tilespmem:$0x4400] =	vst v63  }
0x1a: {  	_ =	swait.ge [sflag:s3], $0x2000  }
0x1b: {  	[sflag:s3] =	ssyncset.done $0x0  }
0x1c: {  	s18 =	simm.s32 $0x2;
	[sflag:s3] =	ssyncadd.s32 $0xFFFFE000  }
0x1d: {  	[tilespmem:s14], [sflag:$0x1] =	stream.indirect.gather [hbm4b:s13+s6], $0x40, s9, s6, $0xb8;
	[tilespmem:$0x4400] =	vst v63  }
0x1e: {  	_ =	swait.ge [sflag:s18], $0x2000  }
0x1f: {  	[sflag:s18] =	ssyncset.done $0x0  }
0x20: {  	s19 =	sadd.s32 $0x7400, s21;
	[sflag:s18] =	ssyncadd.s32 $0xFFFFE000  }
0x21: {  	[hbm4b:s19+s2] =	stream.linear.scatter [tilespmem:s15], [sflag:$0x4], $0x2000, $0x38;
	[tilespmem:$0x4400] =	vst v63  }
0x22: {  	_ =	swait.ge [sflag:s3], $0x2000  }
0x23: {  	[sflag:s3] =	ssyncset.done $0x0  }
0x24: {  	[sflag:s3] =	ssyncadd.s32 $0xFFFFE000  }
0x25: {  	[tilespmem:s15], [sflag:$0x2] =	stream.indirect.gather [hbm4b:s13+s6], $0x40, s11, s6, $0xb8;
	[tilespmem:$0x4400] =	vst v63  }
0x26: {  	_ =	swait.ge [sflag:s16], $0x2000  }
0x27: {  	[sflag:s16] =	ssyncset.done $0x0  }
0x28: {  	s20 =	sadd.s32 $0x7800, s21;
	[sflag:s16] =	ssyncadd.s32 $0xFFFFE000  }
0x29: {  	[hbm4b:s20+s2] =	stream.linear.scatter [tilespmem:s14], [sflag:$0x4], $0x2000, $0x38;
	[tilespmem:$0x4400] =	vst v63  }
0x2a: {  	_ =	swait.ge [sflag:s3], $0x2000  }
0x2b: {  	[sflag:s3] =	ssyncset.done $0x0  }
0x2c: {  	[sflag:s3] =	ssyncadd.s32 $0xFFFFE000  }
0x2d: {  	_ =	swait.ge [sflag:s18], $0x2000  }
0x2e: {  	[sflag:s18] =	ssyncset.done $0x0  }
0x2f: {  	s21 =	sadd.s32 $0x7C00, s21;
	[sflag:s18] =	ssyncadd.s32 $0xFFFFE000  }
0x30: {  	[hbm4b:s21+s2] =	stream.linear.scatter [tilespmem:s15], [sflag:$0x4], $0x2000, $0x38;
	[tilespmem:$0x4400] =	vst v63  }
0x31: {  	_ =	swait.ge [sflag:s3], $0x2000  }
0x32: {  	[sflag:s3] =	ssyncset.done $0x0  }
0x33: {  	s22 =	simm.s32 $0x3;
	[sflag:s3] =	ssyncadd.s32 $0xFFFFE000  }
0x34: {  	_ =	swait.ge [sflag:s22], $0x80  }
0x35: {  	[sflag:s22] =	ssyncset.done $0x0  }
0x36: {  	[sflag:s22] =	ssyncadd.s32 $0xFFFFFF80  }
0x37: {  	_ =	swait.ge [sflag:s22], $0x80  }
0x38: {  	[sflag:s22] =	ssyncset.done $0x0  }
0x39: {  	s24 =	ssub.s32 $0x2, s24;
	[sflag:s22] =	ssyncadd.s32 $0xFFFFFF80  }
0x3a: {  	s26 =	sshrl.u32 s24, $0x1;
	_ =	swait.ge [sflag:s22], $0x80  }
0x3b: {  	s24 =	ssub.s32 s24, s26;
	[sflag:s22] =	ssyncset.done $0x0  }
0x3c: {  	s24 =	smax.u32 s24, $0x1;
	[sflag:s22] =	ssyncadd.s32 $0xFFFFFF80  }
0x3d: {  	p0 =	sne.s32 s24, $0x1;
	_ =	swait.ge [sflag:s22], $0x80  }
.Ltmp0:
0x3e: {  	[sflag:s22] =	ssyncset.done $0x0;
	(pc) =	sbr.rel @!p0 .LBB2_2-.Ltmp0, $4  }
0x3f: {  	s23 =	sadd.s32 s23, s25;
	[sflag:s22] =	ssyncadd.s32 $0xFFFFFF80  }
0x40: {  	[hbm4b:s23+s2] =	stream.linear.scatter [tilespmem:s7], [sflag:$0x4], $0x200, $0x38;
	[tilespmem:$0x4400] =	vst v63  }
0x41: {  	_ =	swait.ge [sflag:s3], $0x200  }
0x42: {  	s24 =	sadd.s32 $0xFFFFFFFF, s24;
	[sflag:s3] =	ssyncset.done $0x0  }
.LBB2_1:
0x43: {  	p0 =	sne.s32 s24, $0x1;
	s24 =	sadd.s32 $0xFFFFFFFF, s24;
	[sflag:s3] =	ssyncadd.s32 $0xFFFFFE00  }
0x44: {  	[tilespmem:s2], [sflag:$0x4] =	stream.linear.gather [hbm4b:s4+s2], $0x200, $0x38;
	[tilespmem:$0x4400] =	vst v63  }
0x45: {  	_ =	swait.ge [sflag:s3], $0x200  }
0x46: {  	[sflag:s3] =	ssyncset.done $0x0  }
0x47: {  	[sflag:s3] =	ssyncadd.s32 $0xFFFFFE00  }
0x48: {  	[tilespmem:s7], [sflag:$0x3] =	stream.indirect.gather [hbm4b:s5+s6], $0x1, s2, s6, $0xb8;
	[tilespmem:$0x4400] =	vst v63  }
0x49: {  	_ = 	snop  }
0x4a: {  	[tilespmem:s8], [sflag:$0x3] =	stream.indirect.gather [hbm4b:s5+s6], $0x1, s6, s6, $0xb8;
	[tilespmem:$0x4400] =	vst v63  }
0x4b: {  	_ = 	snop  }
0x4c: {  	[tilespmem:s10], [sflag:$0x3] =	stream.indirect.gather [hbm4b:s5+s6], $0x1, s9, s6, $0xb8;
	[tilespmem:$0x4400] =	vst v63  }
0x4d: {  	_ = 	snop  }
0x4e: {  	[tilespmem:s12], [sflag:$0x3] =	stream.indirect.gather [hbm4b:s5+s6], $0x1, s11, s6, $0xb8;
	[tilespmem:$0x4400] =	vst v63  }
0x4f: {  	_ = 	snop  }
0x50: {  	[tilespmem:s14], [sflag:$0x1] =	stream.indirect.gather [hbm4b:s13+s6], $0x40, s2, s6, $0xb8;
	[tilespmem:$0x4400] =	vst v63  }
0x51: {  	_ = 	snop  }
0x52: {  	[tilespmem:s15], [sflag:$0x2] =	stream.indirect.gather [hbm4b:s13+s6], $0x40, s6, s6, $0xb8;
	[tilespmem:$0x4400] =	vst v63  }
0x53: {  	_ =	swait.ge [sflag:s16], $0x2000  }
0x54: {  	[sflag:s16] =	ssyncset.done $0x0  }
0x55: {  	[sflag:s16] =	ssyncadd.s32 $0xFFFFE000  }
0x56: {  	[hbm4b:s17+s2] =	stream.linear.scatter [tilespmem:s14], [sflag:$0x4], $0x2000, $0x38;
	[tilespmem:$0x4400] =	vst v63  }
0x57: {  	_ =	swait.ge [sflag:s3], $0x2000  }
0x58: {  	[sflag:s3] =	ssyncset.done $0x0  }
0x59: {  	[sflag:s3] =	ssyncadd.s32 $0xFFFFE000  }
0x5a: {  	[tilespmem:s14], [sflag:$0x1] =	stream.indirect.gather [hbm4b:s13+s6], $0x40, s9, s6, $0xb8;
	[tilespmem:$0x4400] =	vst v63  }
0x5b: {  	_ =	swait.ge [sflag:s18], $0x2000  }
0x5c: {  	[sflag:s18] =	ssyncset.done $0x0  }
0x5d: {  	[sflag:s18] =	ssyncadd.s32 $0xFFFFE000  }
0x5e: {  	[hbm4b:s19+s2] =	stream.linear.scatter [tilespmem:s15], [sflag:$0x4], $0x2000, $0x38;
	[tilespmem:$0x4400] =	vst v63  }
0x5f: {  	_ =	swait.ge [sflag:s3], $0x2000  }
0x60: {  	[sflag:s3] =	ssyncset.done $0x0  }
0x61: {  	[sflag:s3] =	ssyncadd.s32 $0xFFFFE000  }
0x62: {  	[tilespmem:s15], [sflag:$0x2] =	stream.indirect.gather [hbm4b:s13+s6], $0x40, s11, s6, $0xb8;
	[tilespmem:$0x4400] =	vst v63  }
0x63: {  	_ =	swait.ge [sflag:s16], $0x2000  }
0x64: {  	[sflag:s16] =	ssyncset.done $0x0  }
0x65: {  	[sflag:s16] =	ssyncadd.s32 $0xFFFFE000  }
0x66: {  	[hbm4b:s20+s2] =	stream.linear.scatter [tilespmem:s14], [sflag:$0x4], $0x2000, $0x38;
	[tilespmem:$0x4400] =	vst v63  }
0x67: {  	_ =	swait.ge [sflag:s3], $0x2000  }
0x68: {  	[sflag:s3] =	ssyncset.done $0x0  }
0x69: {  	[sflag:s3] =	ssyncadd.s32 $0xFFFFE000  }
0x6a: {  	_ =	swait.ge [sflag:s18], $0x2000  }
0x6b: {  	[sflag:s18] =	ssyncset.done $0x0  }
0x6c: {  	[sflag:s18] =	ssyncadd.s32 $0xFFFFE000  }
0x6d: {  	[hbm4b:s21+s2] =	stream.linear.scatter [tilespmem:s15], [sflag:$0x4], $0x2000, $0x38;
	[tilespmem:$0x4400] =	vst v63  }
0x6e: {  	_ =	swait.ge [sflag:s3], $0x2000  }
0x6f: {  	[sflag:s3] =	ssyncset.done $0x0  }
0x70: {  	[sflag:s3] =	ssyncadd.s32 $0xFFFFE000  }
0x71: {  	_ =	swait.ge [sflag:s22], $0x80  }
0x72: {  	[sflag:s22] =	ssyncset.done $0x0  }
0x73: {  	[sflag:s22] =	ssyncadd.s32 $0xFFFFFF80  }
0x74: {  	_ =	swait.ge [sflag:s22], $0x80  }
0x75: {  	[sflag:s22] =	ssyncset.done $0x0  }
0x76: {  	[sflag:s22] =	ssyncadd.s32 $0xFFFFFF80  }
0x77: {  	_ =	swait.ge [sflag:s22], $0x80  }
0x78: {  	[sflag:s22] =	ssyncset.done $0x0  }
0x79: {  	[sflag:s22] =	ssyncadd.s32 $0xFFFFFF80  }
0x7a: {  	_ =	swait.ge [sflag:s22], $0x80  }
.Ltmp1:
0x7b: {  	[sflag:s22] =	ssyncset.done $0x0;
	(pc) =	sbr.rel @p0 .LBB2_1-.Ltmp1, $4  }
0x7c: {  	[sflag:s22] =	ssyncadd.s32 $0xFFFFFF80  }
0x7d: {  	[hbm4b:s23+s2] =	stream.linear.scatter [tilespmem:s7], [sflag:$0x4], $0x200, $0x38;
	[tilespmem:$0x4400] =	vst v63  }
0x7e: {  	_ =	swait.ge [sflag:s3], $0x200  }
0x7f: {  	[sflag:s3] =	ssyncset.done $0x0  }
.LBB2_2:
0x80: {  	[sflag:s3] =	ssyncadd.s32 $0xFFFFFE00  }
0x81: {  	_ =	sfence.sel $0x180000  }
0x82: {  	[bflag:$0x0] =	sbarrier.arrive $0xFFFF  }
0x83: {  	p0 =	sne.s32 s0, $0x0;
	_ =	strace $0x90000047  }
0x84: {  	s0 =	sadd.s32 @!p0 $0x100000, s1;
	[bflag:$0x2] =	sbarrier.arrive $0xFFFF  }
0x85: {  	[sflag:s0] =	ssyncadd.tile.s32 @!p0 $0x1;
	_ =	shalt  }
.Lfunc_end2:
_tile_overlayer_lowered:
.L_overlay_start_2:
0x86: {  	(tag) =	ssettag $0x2  }
0x87: {  	s0 =	rddreg [dreg:$0x0];
	s2 =	stileid.u32  }
0x88: {  	s1 =	rddreg [dreg:$0x1];
	p0 =	sne.s32 s2, $0x0  }
0x89: {  	s3 =	rddreg [dreg:$0x2];
	[bflag:$0x3] =	sbarrier.arrive $0xFFFF;
	s2 =	simm.s32 @!p0 $0x1C04  }
0x8a: {  	[timem:s3], [sflag:s2] =	dma.local @!p0 [hbm:s0], s1  }
0x8b: {  	s0 =	simm.s32 @!p0 $0x4  }
0x8c: {  	_ =	swait.ge @!p0 [sflag:s0], s1  }
0x8d: {  	s1 =	ssub.s32 @!p0 $0x0, s1;
	[sflag:s0] =	ssyncset.done @!p0 $0x0  }
0x8e: {  	[sflag:s0] =	ssyncadd.s32 @!p0 s1  }
0x8f: {  	[bflag:$0x3] =	sbarrier.arrive $0xFFFF  }
0x90: {  	_ =	shalt  }

// kernel: kernel.8.cloned.1.call-start
scs
__scs_entry_jumppad:
0x0: {  	(pc) =	sbr.rel $0x88, $3  }
0x1: {  	(tag) =	ssettag $0x0;
	lr =	simm.s32 $0x1  }
0x2: {  	[smem:$0x3F93] =	sst lr;
	_ =	strace $0xD0000000  }
0x3: {  	_ = 	snop  }
0x4: {  	_ = 	snop  }
0x5: {  	_ = 	snop  }
0x6: {  	_ = 	snop  }
0x7: {  	_ = 	snop  }
__scs_overlays_trampoline_lowered:
0x8: {  	[smem:$0x3FA2] =	sst s0  }
0x9: {  	[smem:$0x3FA3] =	sst s1  }
0xa: {  	[smem:$0x3FA4] =	sst s2  }
0xb: {  	[smem:$0x3FA5] =	sst s3  }
0xc: {  	[smem:$0x3FA6] =	sst s4  }
0xd: {  	[smem:$0x3FA7] =	sst s5  }
0xe: {  	[smem:$0x3FA8] =	sst s6  }
0xf: {  	[smem:$0x3FA9] =	sst s7  }
0x10: {  	[smem:$0x3FAA] =	sst s8  }
0x11: {  	[smem:$0x3FAB] =	sst s9;
	s0 =	simm.s32 @!p0 $0x0  }
0x12: {  	s1 =	sld [smem:$0x3F91];
	s0 =	simm.s32 @p0 $0x1  }
0x13: {  	[smem:$0x3FAC] =	sst s0;
	s0 =	simm.s32 @!p1 $0x0  }
0x14: {  	s2 =	sld [smem:$0x3F90];
	s0 =	simm.s32 @p1 $0x1  }
0x15: {  	[smem:$0x3FAD] =	sst s0;
	s0 =	simm.s32 @!p2 $0x0  }
0x16: {  	s3 =	sld [smem:$0x3FDB];
	s0 =	simm.s32 @p2 $0x1  }
0x17: {  	s4 =	simm.s32 $0x1BF5;
	[smem:$0x3FAF] =	sst s0  }
0x18: {  	s0 =	sld [smem:$0x3F92];
	_ =	swait.ge [sflag:s4], $0x0  }
0x19: {  	s7 =	sld [smem:$0x3F93]  }
0x1a: {  	s8 =	sadd.s32 $0xFFFFE003, lr  }
0x1b: {  	s9 =	sadd.s32 $0xFFFFFEF7, lr;
	s5 =	simm.s32 $0xFFFFFFFF;
	p2 =	slt.u32 s8, $0xFFFFF086  }
0x1c: {  	p1 =	slt.u32 s9, $0xF7A;
	s5 =	simm.s32 @!p2 $0x0  }
0x1d: {  	s5 =	simm.s32 @p1 $0x1;
	p0 =	seq.s32 s7, s2  }
0x1e: {  	s7 =	smul.u32 @!p0 $0xF7A, s2;
	p2 =	seq.s32 @!p0 s5, $0x0  }
0x1f: {  	s9 =	smul.u32 $0xF7A, s1;
	s8 =	simm.s32 @!p0 $0x1BF5;
	p2 =	por !p2, p0  }
0x20: {  	[sflag:s8] =	ssyncset.s32 @!p0 $0xFFFFF086;
	s6 =	sadd.s32 @!p0 s3, s7;
	s7 =	simm.s32 @!p0 $0x108  }
0x21: {  	s3 =	sadd.s32 s3, s9;
	s6 =	sadd.s32 @!p0 $0x88, s6;
	s7 =	simm.s32 @p2 $0x1082  }
0x22: {  	[simem:s7], [sflag:s8] =	dma.local @!p0 [hbm:s6], $0xF7A  }
0x23: {  	s9 =	sor.u32 $0xD0000000, s2;
	s6 =	simm.s32 $0x108;
	_ =	swait.ge @!p0 [sflag:s8], $0x0  }
0x24: {  	s3 =	sadd.s32 $0x88, s3;
	s6 =	simm.s32 @!p1 $0x1082;
	[sflag:s4] =	ssyncset.s32 $0xFFFFF086  }
0x25: {  	[simem:s6], [sflag:s4] =	dma.local [hbm:s3], $0xF7A  }
0x26: {  	[smem:$0x3F93] =	sst s1;
	(tag) =	ssettag s2;
	_ =	strace s9  }
0x27: {  	s1 =	sld [smem:$0x3FA3]  }
0x28: {  	s2 =	sld [smem:$0x3FA4]  }
0x29: {  	s4 =	sld [smem:$0x3FA6]  }
0x2a: {  	p0 =	seq.s32 s5, $0x0;
	s5 =	sld [smem:$0x3FA7]  }
0x2b: {  	s6 =	sld [smem:$0x3FA8]  }
0x2c: {  	s7 =	sld [smem:$0x3FA9]  }
0x2d: {  	s3 =	simm.s32 $0x108;
	s8 =	sld [smem:$0x3FAA]  }
0x2e: {  	s3 =	simm.s32 @!p0 $0x1082;
	s9 =	sld [smem:$0x3FAB]  }
0x2f: {  	lr =	sadd.s32 s0, s3;
	s0 =	sld [smem:$0x3FA2]  }
0x30: {  	s3 =	sld [smem:$0x3FA5]  }
0x31: {  	[smem:$0x3FAE] =	sst s10  }
0x32: {  	s10 =	sld [smem:$0x3FAC];
	_ =	sdelay $0x3  }
0x33: {  	p0 =	seq.s32 s10, $0x1;
	s10 =	sld [smem:$0x3FAE];
	_ =	sdelay $0x3  }
0x34: {  	[smem:$0x3FAE] =	sst s10  }
0x35: {  	s10 =	sld [smem:$0x3FAD];
	_ =	sdelay $0x3  }
0x36: {  	p1 =	seq.s32 s10, $0x1;
	s10 =	sld [smem:$0x3FAE];
	_ =	sdelay $0x3  }
0x37: {  	[smem:$0x3FAE] =	sst s10  }
0x38: {  	s10 =	sld [smem:$0x3FAF]  }
0x39: {  	_ = 	snop;
	(pc) =	sbr.ind lr, $3  }
0x3a: {  	_ = 	snop  }
0x3b: {  	_ = 	snop  }
0x3c: {  	p2 =	seq.s32 s10, $0x1;
	s10 =	sld [smem:$0x3FAE]  }
0x3d: {  	_ =	shalt  }
0x3e: {  	_ =	shalt  }
0x3f: {  	_ =	shalt  }
0x40: {  	_ =	shalt  }
0x41: {  	_ =	shalt  }
0x42: {  	_ =	shalt  }
0x43: {  	_ =	shalt  }
0x44: {  	_ =	shalt  }
0x45: {  	_ =	shalt  }
0x46: {  	_ =	shalt  }
0x47: {  	_ =	shalt  }
0x48: {  	_ =	shalt  }
0x49: {  	_ =	shalt  }
0x4a: {  	_ =	shalt  }
0x4b: {  	_ =	shalt  }
0x4c: {  	_ =	shalt  }
0x4d: {  	_ =	shalt  }
0x4e: {  	_ =	shalt  }
0x4f: {  	_ =	shalt  }
0x50: {  	_ =	shalt  }
0x51: {  	_ =	shalt  }
0x52: {  	_ =	shalt  }
0x53: {  	_ =	shalt  }
0x54: {  	_ =	shalt  }
0x55: {  	_ =	shalt  }
0x56: {  	_ =	shalt  }
0x57: {  	_ =	shalt  }
0x58: {  	_ =	shalt  }
0x59: {  	_ =	shalt  }
0x5a: {  	_ =	shalt  }
0x5b: {  	_ =	shalt  }
0x5c: {  	_ =	shalt  }
0x5d: {  	_ =	shalt  }
0x5e: {  	_ =	shalt  }
0x5f: {  	_ =	shalt  }
0x60: {  	_ =	shalt  }
0x61: {  	_ =	shalt  }
0x62: {  	_ =	shalt  }
0x63: {  	_ =	shalt  }
0x64: {  	_ =	shalt  }
0x65: {  	_ =	shalt  }
0x66: {  	_ =	shalt  }
0x67: {  	_ =	shalt  }
0x68: {  	_ =	shalt  }
0x69: {  	_ =	shalt  }
0x6a: {  	_ =	shalt  }
0x6b: {  	_ =	shalt  }
0x6c: {  	_ =	shalt  }
0x6d: {  	_ =	shalt  }
0x6e: {  	_ =	shalt  }
0x6f: {  	_ =	shalt  }
0x70: {  	_ =	shalt  }
0x71: {  	_ =	shalt  }
0x72: {  	_ =	shalt  }
0x73: {  	_ =	shalt  }
0x74: {  	_ =	shalt  }
0x75: {  	_ =	shalt  }
0x76: {  	_ =	shalt  }
0x77: {  	_ =	shalt  }
0x78: {  	_ =	shalt  }
0x79: {  	_ =	shalt  }
0x7a: {  	_ =	shalt  }
0x7b: {  	_ =	shalt  }
0x7c: {  	_ =	shalt  }
0x7d: {  	_ =	shalt  }
0x7e: {  	_ =	shalt  }
0x7f: {  	_ =	shalt  }
0x80: {  	_ =	shalt  }
0x81: {  	_ =	shalt  }
0x82: {  	_ =	shalt  }
0x83: {  	_ =	shalt  }
0x84: {  	_ =	shalt  }
0x85: {  	_ =	shalt  }
0x86: {  	_ =	shalt  }
0x87: {  	_ =	shalt  }
.Lfunc_end0:
.L_simem_size_0:
called_computation.1_lowered:
.L_overlay_start_0:
0x88: {  	s2 =	sld [smem:$0x3FD9]  }
0x89: {  	s3 =	sld [smem:$0x3FFE];
	_ =	sdelay $0x1  }
0x8a: {  	s1 =	srdreg.scid  }
0x8b: {  	s0 =	sand.u32 $0x1, s1  }
0x8c: {  	s15 =	sshll.u32 s0, $0xA;
	s2 =	sadd.s32 s3, s2  }
0x8d: {  	s2 =	sadd.s32 s2, s15  }
0x8e: {  	[smem:$0x3FBA] =	sst s2  }
0x8f: {  	_ = 	snop  }
0x90: {  	s16 =	sld [smem:$0x3FD0];
	_ =	sdelay $0x2  }
0x91: {  	s4 =	simm.s32 $0xB;
	s5 =	simm.s32 $0x10;
	s2 =	sld [smem:$0x3FC9]  }
0x92: {  	[smem:s5], [sflag:s4] =	dma.local [hbm:s16], $0x1  }
0x93: {  	_ =	swait.eq [sflag:s4], $0x1  }
0x94: {  	[sflag:s4] =	ssyncset.done $0x0  }
0x95: {  	[sflag:s4] =	ssyncadd.s32 $0xFFFFFFFF  }
0x96: {  	s17 =	sld [smem:$0x11];
	(tm) =	ssettm $0x1  }
0x97: {  	s18 =	sld [smem:$0x3FFB];
	_ =	sdelay $0x3  }
0x98: {  	_ =	strace s18  }
0x99: {  	s3 =	sld [smem:$0x3FFC];
	_ =	sdelay $0x3  }
0x9a: {  	_ =	strace s3  }
0x9b: {  	s3 =	sld [smem:$0x3FFD];
	_ =	sdelay $0x3  }
0x9c: {  	_ =	strace s3  }
0x9d: {  	_ =	strace $0x8FFFFFFF  }
0x9e: {  	s19 =	sld [smem:$0x3FDB];
	_ =	sdelay $0x1  }
0x9f: {  	s20 =	simm.s32 $_scs_section_size  }
0xa0: {  	s6 =	simm.s32 $_size__tile_overlayer_lowered;
	s7 =	simm.s32 $_tile_overlayer_lowered  }
0xa1: {  	s8 =	simm.s32 $0x1BFF;
	s21 =	sshll.u32 s7, $0x1;
	s5 =	sadd.s32 s20, s19  }
0xa2: {  	s22 =	simm.s32 $0x0;
	s6 =	sshll.u32 s6, $0x1;
	s7 =	sadd.s32 s21, s5  }
0xa3: {  	[timem:s22], [sflag:s8] =	dma.local [hbm:s7], s6  }
0xa4: {  	_ =	swait.ge [sflag:s8], s6  }
0xa5: {  	s6 =	ssub.s32 $0x0, s6;
	[sflag:s8] =	ssyncset.done $0x0  }
0xa6: {  	[sflag:s8] =	ssyncadd.s32 s6;
	_ =	sdelay $0x1  }
0xa7: {  	s23 =	simm.s32 $0x1B8B  }
0xa8: {  	_ =	swait.ge [sflag:s23], $0x1  }
0xa9: {  	[sflag:s23] =	ssyncset.done $0x0  }
0xaa: {  	[sflag:s23] =	ssyncadd.s32 $0xFFFFFFFF  }
0xab: {  	s6 =	sld [smem:$0x0]  }
0xac: {  	s7 =	sand.u32 $0xFFFFFFFE, s1  }
0xad: {  	p0 =	sne.s32 s1, s7  }
0xae: {  	s7 =	sshll.u32 @p0 s7, $0xE  }
0xaf: {  	s7 =	sadd.s32 @p0 $0x11B8D, s7;
	s8 =	sshll.u32 @p0 s6, $0x11  }
0xb0: {  	s7 =	sor.u32 @p0 s8, s7  }
0xb1: {  	[sflag:s7] =	ssyncadd.remote.s32 @p0 $0x1;
	_ =	sdelay $0x1  }
0xb2: {  	s7 =	simm.s32 @p0 $0x1B8D  }
0xb3: {  	_ =	swait.eq @p0 [sflag:s7], $0x1  }
0xb4: {  	[sflag:s7] =	ssyncadd.s32 @p0 $0xFFFFFFFF  }
0xb5: {  	s8 =	sshll.u32 @!p0 s1, $0xE  }
0xb6: {  	s8 =	sor.u32 @!p0 $0x4000, s8;
	s7 =	simm.s32 @!p0 $0x1B8D  }
0xb7: {  	s6 =	sshll.u32 @!p0 s6, $0x11;
	s8 =	sadd.s32 @!p0 $0x11B8D, s8;
	_ =	swait.eq @!p0 [sflag:s7], $0x1  }
0xb8: {  	s6 =	sor.u32 @!p0 s6, s8;
	[sflag:s7] =	ssyncadd.s32 @!p0 $0xFFFFFFFF  }
0xb9: {  	s25 =	simm.s32 $0x1B8E;
	s24 =	sld [smem:$0x3FFE];
	[sflag:s6] =	ssyncadd.remote.s32 @!p0 $0x1  }
0xba: {  	s26 =	simm.s32 $execute0_lowered;
	[smem:$0x3FD2] =	sst s25  }
0xbb: {  	s7 =	sshll.u32 s26, $0x1;
	_ =	strace $0x80000049;
	[dreg:$0x1] =	wrdreg $0xFFFFFFFF  }
0xbc: {  	s28 =	simm.s32 $_size_execute0_lowered;
	s5 =	sadd.s32 s5, s7;
	[dreg:$0x0] =	wrdreg $0x0  }
0xbd: {  	s7 =	sshll.u32 s28, $0x1;
	[dreg:$0x2] =	wrdreg s5  }
0xbe: {  	[dreg:$0x3] =	wrdreg s7  }
0xbf: {  	[dreg:$0x4] =	wrdreg $0xC0  }
0xc0: {  	_ =	task [dreg:s22], $0x5FFFF  }
0xc1: {  	[dreg:$0x1] =	wrdreg $0xFFFFFFFF  }
0xc2: {  	[dreg:$0x0] =	wrdreg $0x60  }
0xc3: {  	[dreg:$0x2] =	wrdreg s24  }
0xc4: {  	[dreg:$0x3] =	wrdreg s2  }
0xc5: {  	[dreg:$0x4] =	wrdreg s17  }
0xc6: {  	[dreg:$0x5] =	wrdreg $0xA  }
0xc7: {  	_ =	task.clear_ibuf [dreg:s22], $0x6FFFF;
	_ =	strace $0x90000049  }
0xc8: {  	s29 =	simm.s32 $0xA;
	_ =	strace $0x8000004B  }
0xc9: {  	_ =	swait.ge [sflag:s29], $0x1  }
0xca: {  	[sflag:s29] =	ssyncadd.s32 $0xFFFFFFFF  }
0xcb: {  	_ =	strace $0x9000004B  }
0xcc: {  	_ =	sfence  }
0xcd: {  	s30 =	sld [smem:$0x0];
	_ =	sdelay $0x2  }
0xce: {  	s31 =	sshll.u32 s1, $0xD;
	s1 =	sshrl.u32 s1, $0x2  }
0xcf: {  	s4 =	sand.u32 $0x4000, s31;
	s1 =	sadd.s32 s1, s30  }
0xd0: {  	s0 =	sor.u32 s4, s0;
	s1 =	sshll.u32 s1, $0x11  }
0xd1: {  	s0 =	sor.u32 s1, s0  }
0xd2: {  	s0 =	sadd.s32 $0x8F2B, s0  }
0xd3: {  	[sflag:s0] =	ssyncadd.remote.s32 $0x1  }
0xd4: {  	_ =	sfence.sel $0xFFFF  }
0xd5: {  	[dreg:$0x0] =	wrdreg $0xFFFFFFFF;
	(pc) =	sbr.abs _section_cstart, $3  }
0xd6: {  	[dreg:$0x1] =	wrdreg $0xFFFFFFFF  }
0xd7: {  	_ =	task.clear_ibuf [dreg:s22], $0x2FFFF;
	_ =	strace $0x9FFFFFFF  }
0xd8: {  	(tm) =	ssettm $0x7FFFFFFF  }
0xd9: {  	_ =	shalt  }
tec
execute0_lowered:
.L_overlay_start_1:
0x0: {  	(tag) =	ssettag $0x1  }
0x1: {  	s17 =	rddreg [dreg:$0x0];
	s1 =	srdreg.scid  }
0x2: {  	s3 =	rddreg [dreg:$0x1];
	s0 =	stileid.u32;
	s24 =	sand.u32 $0x1, s1  }
0x3: {  	s23 =	rddreg [dreg:$0x2];
	s4 =	sshll.u32 s0, $0xA;
	s5 =	sshll.u32 s24, $0x9  }
0x4: {  	s2 =	simm.s32 $0x0;
	s1 =	rddreg [dreg:$0x3];
	s18 =	sor.u32 s5, s4  }
0x5: {  	[smem:$0x7FF] =	sst s2;
	s25 =	sshrl.u32 s18, $0x3  }
0x6: {  	_ =	strace $0x8000004A;
	s4 =	sadd.s32 s3, s25;
	s3 =	simm.s32 $0x4  }
0x7: {  	[tilespmem:s2], [sflag:$0x4] =	stream.linear.gather [hbm4b:s4+s2], $0x200, $0x38;
	[tilespmem:$0x4400] =	vst v63  }
0x8: {  	_ =	swait.ge [sflag:s3], $0x200  }
0x9: {  	s6 =	simm.s32 $0x80;
	[sflag:s3] =	ssyncset.done $0x0  }
0xa: {  	s7 =	simm.s32 $0x4200;
	s5 =	sadd.s32 $0xEA600, s17;
	[sflag:s3] =	ssyncadd.s32 $0xFFFFFE00  }
0xb: {  	[tilespmem:s7], [sflag:$0x3] =	stream.indirect.gather [hbm4b:s5+s6], $0x1, s2, s6, $0xb8;
	[tilespmem:$0x4400] =	vst v63  }
0xc: {  	s8 =	simm.s32 $0x4280  }
0xd: {  	[tilespmem:s8], [sflag:$0x3] =	stream.indirect.gather [hbm4b:s5+s6], $0x1, s6, s6, $0xb8;
	[tilespmem:$0x4400] =	vst v63  }
0xe: {  	s9 =	simm.s32 $0x100;
	s10 =	simm.s32 $0x4300  }
0xf: {  	[tilespmem:s10], [sflag:$0x3] =	stream.indirect.gather [hbm4b:s5+s6], $0x1, s9, s6, $0xb8;
	[tilespmem:$0x4400] =	vst v63  }
0x10: {  	s11 =	simm.s32 $0x180;
	s12 =	simm.s32 $0x4380  }
0x11: {  	[tilespmem:s12], [sflag:$0x3] =	stream.indirect.gather [hbm4b:s5+s6], $0x1, s11, s6, $0xb8;
	[tilespmem:$0x4400] =	vst v63  }
0x12: {  	s14 =	simm.s32 $0x200;
	s13 =	sadd.s32 $0x27000, s17  }
0x13: {  	[tilespmem:s14], [sflag:$0x1] =	stream.indirect.gather [hbm4b:s13+s6], $0x40, s2, s6, $0xb8;
	[tilespmem:$0x4400] =	vst v63  }
0x14: {  	s15 =	simm.s32 $0x2200;
	s16 =	simm.s32 $0x1  }
0x15: {  	[tilespmem:s15], [sflag:$0x2] =	stream.indirect.gather [hbm4b:s13+s6], $0x40, s6, s6, $0xb8;
	[tilespmem:$0x4400] =	vst v63  }
0x16: {  	s18 =	sshll.u32 s18, $0x3;
	_ =	swait.ge [sflag:s16], $0x2000  }
0x17: {  	s21 =	sadd.s32 s18, s17;
	[sflag:s16] =	ssyncset.done $0x0  }
0x18: {  	s17 =	sadd.s32 $0xED800, s21;
	[sflag:s16] =	ssyncadd.s32 $0xFFFFE000  }
0x19: {  	[hbm4b:s17+s2] =	stream.linear.scatter [tilespmem:s14], [sflag:$0x4], $0x2000, $0x38;
	[tilespmem:$0x4400] =	vst v63  }
0x1a: {  	_ =	swait.ge [sflag:s3], $0x2000  }
0x1b: {  	[sflag:s3] =	ssyncset.done $0x0  }
0x1c: {  	s18 =	simm.s32 $0x2;
	[sflag:s3] =	ssyncadd.s32 $0xFFFFE000  }
0x1d: {  	[tilespmem:s14], [sflag:$0x1] =	stream.indirect.gather [hbm4b:s13+s6], $0x40, s9, s6, $0xb8;
	[tilespmem:$0x4400] =	vst v63  }
0x1e: {  	_ =	swait.ge [sflag:s18], $0x2000  }
0x1f: {  	[sflag:s18] =	ssyncset.done $0x0  }
0x20: {  	s19 =	sadd.s32 $0xEDC00, s21;
	[sflag:s18] =	ssyncadd.s32 $0xFFFFE000  }
0x21: {  	[hbm4b:s19+s2] =	stream.linear.scatter [tilespmem:s15], [sflag:$0x4], $0x2000, $0x38;
	[tilespmem:$0x4400] =	vst v63  }
0x22: {  	_ =	swait.ge [sflag:s3], $0x2000  }
0x23: {  	[sflag:s3] =	ssyncset.done $0x0  }
0x24: {  	[sflag:s3] =	ssyncadd.s32 $0xFFFFE000  }
0x25: {  	[tilespmem:s15], [sflag:$0x2] =	stream.indirect.gather [hbm4b:s13+s6], $0x40, s11, s6, $0xb8;
	[tilespmem:$0x4400] =	vst v63  }
0x26: {  	_ =	swait.ge [sflag:s16], $0x2000  }
0x27: {  	[sflag:s16] =	ssyncset.done $0x0  }
0x28: {  	s20 =	sadd.s32 $0xEE000, s21;
	[sflag:s16] =	ssyncadd.s32 $0xFFFFE000  }
0x29: {  	[hbm4b:s20+s2] =	stream.linear.scatter [tilespmem:s14], [sflag:$0x4], $0x2000, $0x38;
	[tilespmem:$0x4400] =	vst v63  }
0x2a: {  	_ =	swait.ge [sflag:s3], $0x2000  }
0x2b: {  	[sflag:s3] =	ssyncset.done $0x0  }
0x2c: {  	[sflag:s3] =	ssyncadd.s32 $0xFFFFE000  }
0x2d: {  	_ =	swait.ge [sflag:s18], $0x2000  }
0x2e: {  	[sflag:s18] =	ssyncset.done $0x0  }
0x2f: {  	s21 =	sadd.s32 $0xEE400, s21;
	[sflag:s18] =	ssyncadd.s32 $0xFFFFE000  }
0x30: {  	[hbm4b:s21+s2] =	stream.linear.scatter [tilespmem:s15], [sflag:$0x4], $0x2000, $0x38;
	[tilespmem:$0x4400] =	vst v63  }
0x31: {  	_ =	swait.ge [sflag:s3], $0x2000  }
0x32: {  	[sflag:s3] =	ssyncset.done $0x0  }
0x33: {  	s22 =	simm.s32 $0x3;
	[sflag:s3] =	ssyncadd.s32 $0xFFFFE000  }
0x34: {  	_ =	swait.ge [sflag:s22], $0x80  }
0x35: {  	[sflag:s22] =	ssyncset.done $0x0  }
0x36: {  	[sflag:s22] =	ssyncadd.s32 $0xFFFFFF80  }
0x37: {  	_ =	swait.ge [sflag:s22], $0x80  }
0x38: {  	[sflag:s22] =	ssyncset.done $0x0  }
0x39: {  	s24 =	ssub.s32 $0x2, s24;
	[sflag:s22] =	ssyncadd.s32 $0xFFFFFF80  }
0x3a: {  	s26 =	sshrl.u32 s24, $0x1;
	_ =	swait.ge [sflag:s22], $0x80  }
0x3b: {  	s24 =	ssub.s32 s24, s26;
	[sflag:s22] =	ssyncset.done $0x0  }
0x3c: {  	s24 =	smax.u32 s24, $0x1;
	[sflag:s22] =	ssyncadd.s32 $0xFFFFFF80  }
0x3d: {  	p0 =	sne.s32 s24, $0x1;
	_ =	swait.ge [sflag:s22], $0x80  }
.Ltmp0:
0x3e: {  	[sflag:s22] =	ssyncset.done $0x0;
	(pc) =	sbr.rel @!p0 .LBB2_2-.Ltmp0, $4  }
0x3f: {  	s23 =	sadd.s32 s23, s25;
	[sflag:s22] =	ssyncadd.s32 $0xFFFFFF80  }
0x40: {  	[hbm4b:s23+s2] =	stream.linear.scatter [tilespmem:s7], [sflag:$0x4], $0x200, $0x38;
	[tilespmem:$0x4400] =	vst v63  }
0x41: {  	_ =	swait.ge [sflag:s3], $0x200  }
0x42: {  	s24 =	sadd.s32 $0xFFFFFFFF, s24;
	[sflag:s3] =	ssyncset.done $0x0  }
.LBB2_1:
0x43: {  	p0 =	sne.s32 s24, $0x1;
	s24 =	sadd.s32 $0xFFFFFFFF, s24;
	[sflag:s3] =	ssyncadd.s32 $0xFFFFFE00  }
0x44: {  	[tilespmem:s2], [sflag:$0x4] =	stream.linear.gather [hbm4b:s4+s2], $0x200, $0x38;
	[tilespmem:$0x4400] =	vst v63  }
0x45: {  	_ =	swait.ge [sflag:s3], $0x200  }
0x46: {  	[sflag:s3] =	ssyncset.done $0x0  }
0x47: {  	[sflag:s3] =	ssyncadd.s32 $0xFFFFFE00  }
0x48: {  	[tilespmem:s7], [sflag:$0x3] =	stream.indirect.gather [hbm4b:s5+s6], $0x1, s2, s6, $0xb8;
	[tilespmem:$0x4400] =	vst v63  }
0x49: {  	_ = 	snop  }
0x4a: {  	[tilespmem:s8], [sflag:$0x3] =	stream.indirect.gather [hbm4b:s5+s6], $0x1, s6, s6, $0xb8;
	[tilespmem:$0x4400] =	vst v63  }
0x4b: {  	_ = 	snop  }
0x4c: {  	[tilespmem:s10], [sflag:$0x3] =	stream.indirect.gather [hbm4b:s5+s6], $0x1, s9, s6, $0xb8;
	[tilespmem:$0x4400] =	vst v63  }
0x4d: {  	_ = 	snop  }
0x4e: {  	[tilespmem:s12], [sflag:$0x3] =	stream.indirect.gather [hbm4b:s5+s6], $0x1, s11, s6, $0xb8;
	[tilespmem:$0x4400] =	vst v63  }
0x4f: {  	_ = 	snop  }
0x50: {  	[tilespmem:s14], [sflag:$0x1] =	stream.indirect.gather [hbm4b:s13+s6], $0x40, s2, s6, $0xb8;
	[tilespmem:$0x4400] =	vst v63  }
0x51: {  	_ = 	snop  }
0x52: {  	[tilespmem:s15], [sflag:$0x2] =	stream.indirect.gather [hbm4b:s13+s6], $0x40, s6, s6, $0xb8;
	[tilespmem:$0x4400] =	vst v63  }
0x53: {  	_ =	swait.ge [sflag:s16], $0x2000  }
0x54: {  	[sflag:s16] =	ssyncset.done $0x0  }
0x55: {  	[sflag:s16] =	ssyncadd.s32 $0xFFFFE000  }
0x56: {  	[hbm4b:s17+s2] =	stream.linear.scatter [tilespmem:s14], [sflag:$0x4], $0x2000, $0x38;
	[tilespmem:$0x4400] =	vst v63  }
0x57: {  	_ =	swait.ge [sflag:s3], $0x2000  }
0x58: {  	[sflag:s3] =	ssyncset.done $0x0  }
0x59: {  	[sflag:s3] =	ssyncadd.s32 $0xFFFFE000  }
0x5a: {  	[tilespmem:s14], [sflag:$0x1] =	stream.indirect.gather [hbm4b:s13+s6], $0x40, s9, s6, $0xb8;
	[tilespmem:$0x4400] =	vst v63  }
0x5b: {  	_ =	swait.ge [sflag:s18], $0x2000  }
0x5c: {  	[sflag:s18] =	ssyncset.done $0x0  }
0x5d: {  	[sflag:s18] =	ssyncadd.s32 $0xFFFFE000  }
0x5e: {  	[hbm4b:s19+s2] =	stream.linear.scatter [tilespmem:s15], [sflag:$0x4], $0x2000, $0x38;
	[tilespmem:$0x4400] =	vst v63  }
0x5f: {  	_ =	swait.ge [sflag:s3], $0x2000  }
0x60: {  	[sflag:s3] =	ssyncset.done $0x0  }
0x61: {  	[sflag:s3] =	ssyncadd.s32 $0xFFFFE000  }
0x62: {  	[tilespmem:s15], [sflag:$0x2] =	stream.indirect.gather [hbm4b:s13+s6], $0x40, s11, s6, $0xb8;
	[tilespmem:$0x4400] =	vst v63  }
0x63: {  	_ =	swait.ge [sflag:s16], $0x2000  }
0x64: {  	[sflag:s16] =	ssyncset.done $0x0  }
0x65: {  	[sflag:s16] =	ssyncadd.s32 $0xFFFFE000  }
0x66: {  	[hbm4b:s20+s2] =	stream.linear.scatter [tilespmem:s14], [sflag:$0x4], $0x2000, $0x38;
	[tilespmem:$0x4400] =	vst v63  }
0x67: {  	_ =	swait.ge [sflag:s3], $0x2000  }
0x68: {  	[sflag:s3] =	ssyncset.done $0x0  }
0x69: {  	[sflag:s3] =	ssyncadd.s32 $0xFFFFE000  }
0x6a: {  	_ =	swait.ge [sflag:s18], $0x2000  }
0x6b: {  	[sflag:s18] =	ssyncset.done $0x0  }
0x6c: {  	[sflag:s18] =	ssyncadd.s32 $0xFFFFE000  }
0x6d: {  	[hbm4b:s21+s2] =	stream.linear.scatter [tilespmem:s15], [sflag:$0x4], $0x2000, $0x38;
	[tilespmem:$0x4400] =	vst v63  }
0x6e: {  	_ =	swait.ge [sflag:s3], $0x2000  }
0x6f: {  	[sflag:s3] =	ssyncset.done $0x0  }
0x70: {  	[sflag:s3] =	ssyncadd.s32 $0xFFFFE000  }
0x71: {  	_ =	swait.ge [sflag:s22], $0x80  }
0x72: {  	[sflag:s22] =	ssyncset.done $0x0  }
0x73: {  	[sflag:s22] =	ssyncadd.s32 $0xFFFFFF80  }
0x74: {  	_ =	swait.ge [sflag:s22], $0x80  }
0x75: {  	[sflag:s22] =	ssyncset.done $0x0  }
0x76: {  	[sflag:s22] =	ssyncadd.s32 $0xFFFFFF80  }
0x77: {  	_ =	swait.ge [sflag:s22], $0x80  }
0x78: {  	[sflag:s22] =	ssyncset.done $0x0  }
0x79: {  	[sflag:s22] =	ssyncadd.s32 $0xFFFFFF80  }
0x7a: {  	_ =	swait.ge [sflag:s22], $0x80  }
.Ltmp1:
0x7b: {  	[sflag:s22] =	ssyncset.done $0x0;
	(pc) =	sbr.rel @p0 .LBB2_1-.Ltmp1, $4  }
0x7c: {  	[sflag:s22] =	ssyncadd.s32 $0xFFFFFF80  }
0x7d: {  	[hbm4b:s23+s2] =	stream.linear.scatter [tilespmem:s7], [sflag:$0x4], $0x200, $0x38;
	[tilespmem:$0x4400] =	vst v63  }
0x7e: {  	_ =	swait.ge [sflag:s3], $0x200  }
0x7f: {  	[sflag:s3] =	ssyncset.done $0x0  }
.LBB2_2:
0x80: {  	[sflag:s3] =	ssyncadd.s32 $0xFFFFFE00  }
0x81: {  	_ =	sfence.sel $0x180000  }
0x82: {  	[bflag:$0x0] =	sbarrier.arrive $0xFFFF  }
0x83: {  	p0 =	sne.s32 s0, $0x0;
	_ =	strace $0x9000004A  }
0x84: {  	s0 =	sadd.s32 @!p0 $0x100000, s1;
	[bflag:$0x2] =	sbarrier.arrive $0xFFFF  }
0x85: {  	[sflag:s0] =	ssyncadd.tile.s32 @!p0 $0x1;
	_ =	shalt  }
.Lfunc_end2:
_tile_overlayer_lowered:
.L_overlay_start_2:
0x86: {  	(tag) =	ssettag $0x2  }
0x87: {  	s0 =	rddreg [dreg:$0x0];
	s2 =	stileid.u32  }
0x88: {  	s1 =	rddreg [dreg:$0x1];
	p0 =	sne.s32 s2, $0x0  }
0x89: {  	s3 =	rddreg [dreg:$0x2];
	[bflag:$0x3] =	sbarrier.arrive $0xFFFF;
	s2 =	simm.s32 @!p0 $0x1C04  }
0x8a: {  	[timem:s3], [sflag:s2] =	dma.local @!p0 [hbm:s0], s1  }
0x8b: {  	s0 =	simm.s32 @!p0 $0x4  }
0x8c: {  	_ =	swait.ge @!p0 [sflag:s0], s1  }
0x8d: {  	s1 =	ssub.s32 @!p0 $0x0, s1;
	[sflag:s0] =	ssyncset.done @!p0 $0x0  }
0x8e: {  	[sflag:s0] =	ssyncadd.s32 @!p0 s1  }
0x8f: {  	[bflag:$0x3] =	sbarrier.arrive $0xFFFF  }
0x90: {  	_ =	shalt  }

</sc_bundles>
